<compile_context>
chip_gen: v7x
topology: tpu7x:2x2x1
jax: 0.10.2.dev20260603
libtpu: 0.0.44.dev20260713+nightly
codegen_flags: <defaults>
</compile_context>

<pallas_src>
import functools

import jax
import jax.numpy as jnp
from jax import lax
from jax.experimental import pallas as pl
from jax.experimental.pallas import tpu as pltpu
from jax.experimental.pallas import tpu_sc as plsc

NC = 2
NS = 16
EB = 128
CW = 128
K = CW


def _sc_mesh():
    return plsc.VectorSubcoreMesh(
        core_axis_name="c", subcore_axis_name="s", num_cores=NC, num_subcores=NS
    )


DEGW = 128


def _sc_degree(dst3, ones_h, zeros_h, npad, nblk):
    rpt = npad // NS
    half = nblk // NC

    @functools.partial(
        pl.kernel,
        out_type=[jax.ShapeDtypeStruct((npad, DEGW), jnp.float32) for _ in range(NC)],
        mesh=_sc_mesh(),
        scratch_types=[
            pltpu.VMEM_SHARED((npad, DEGW), jnp.float32),
            pltpu.VMEM((nblk // NC, EB), jnp.int32),
            pltpu.VMEM((EB, DEGW), jnp.float32),
            pltpu.SemaphoreType.DMA,
            pltpu.SemaphoreType.DMA,
        ],
    )
    def deg_kernel(dst_ha, dst_hb, ones_hbm, zeros_hbm, out0, out1, acc, idx_d,
                   ones_v, s0, s1):
        cid = lax.axis_index("c")
        sid = lax.axis_index("s")
        pltpu.sync_copy(zeros_hbm, acc.at[pl.ds(sid * rpt, rpt)])
        pltpu.sync_copy(ones_hbm, ones_v)

        @pl.when(cid == 0)
        def _():
            pltpu.sync_copy(dst_ha.at[sid], idx_d)

        @pl.when(cid == 1)
        def _():
            pltpu.sync_copy(dst_hb.at[sid], idx_d)

        plsc.subcore_barrier()

        def blk(i, carry):
            pltpu.async_copy(ones_v, acc.at[idx_d.at[2 * i]], s0, add=True)
            pltpu.async_copy(ones_v, acc.at[idx_d.at[2 * i + 1]], s1, add=True)
            pltpu.make_async_copy(ones_v, acc.at[idx_d.at[2 * i]], s0).wait()
            pltpu.make_async_copy(ones_v, acc.at[idx_d.at[2 * i + 1]], s1).wait()
            return carry

        lax.fori_loop(0, half // 2, blk, 0)
        plsc.subcore_barrier()

        @pl.when(cid == 0)
        def _():
            pltpu.sync_copy(
                acc.at[pl.ds(sid * rpt, rpt)], out0.at[pl.ds(sid * rpt, rpt)]
            )

        @pl.when(cid == 1)
        def _():
            pltpu.sync_copy(
                acc.at[pl.ds(sid * rpt, rpt)], out1.at[pl.ds(sid * rpt, rpt)]
            )

    return deg_kernel(dst3[:, :half], dst3[:, half:], ones_h, zeros_h)


def _sc_spmm(g_chunks, src3, dst3, zeros_h, npad, nblk):
    nch = len(g_chunks)
    C = g_chunks[0].shape[1]
    rpt = npad // NS

    @functools.partial(
        pl.kernel,
        out_type=[jax.ShapeDtypeStruct((npad, C), jnp.float32) for _ in range(nch)],
        mesh=_sc_mesh(),
        scratch_types=[
            pltpu.VMEM_SHARED((npad, C), jnp.float32),
            pltpu.VMEM((nblk, EB), jnp.int32),
            pltpu.VMEM((nblk, EB), jnp.int32),
            pltpu.VMEM((EB, C), jnp.float32),
            pltpu.SemaphoreType.DMA,
        ],
    )
    def spmm_kernel(src_h, dst_h, zeros_hbm, *rest):
        gs = rest[:nch]
        outs = rest[nch : 2 * nch]
        acc, idx_s, idx_d, rows, sem = rest[2 * nch :]
        cid = lax.axis_index("c")
        sid = lax.axis_index("s")
        pltpu.sync_copy(src_h.at[sid], idx_s)
        pltpu.sync_copy(dst_h.at[sid], idx_d)
        for ci in range(nch):

            @pl.when(cid == (ci % NC))
            def _(ci=ci):
                g = gs[ci]
                o = outs[ci]
                pltpu.sync_copy(zeros_hbm, acc.at[pl.ds(sid * rpt, rpt)])
                plsc.subcore_barrier()

                def blk(j, carry):
                    pltpu.async_copy(g.at[idx_s.at[j]], rows, sem).wait()
                    pltpu.sync_copy(rows, acc.at[idx_d.at[j]], add=True)
                    return carry

                lax.fori_loop(0, nblk, blk, 0)
                plsc.subcore_barrier()
                pltpu.sync_copy(
                    acc.at[pl.ds(sid * rpt, rpt)], o.at[pl.ds(sid * rpt, rpt)]
                )
                plsc.subcore_barrier()

    return list(spmm_kernel(src3, dst3, zeros_h, *g_chunks))


def _dinv_col(deg_refs, n):
    d0, d1 = deg_refs
    return lax.rsqrt(d0[0:n, 0:1] + d1[0:n, 0:1] + 1.0)


def _tc_prep(x, w_f1, w_b1, deg_t, n, d_hid):
    nch = (2 * d_hid) // K

    def body(x_ref, wf_ref, wb_ref, deg0, deg1, *outs):
        dinv = _dinv_col((deg0, deg1), n)
        w = jnp.concatenate([wf_ref[...], wb_ref[...]], axis=1)
        g = jnp.dot(x_ref[...], w, preferred_element_type=jnp.float32) * dinv
        for i, o in enumerate(outs):
            o[...] = g[:, i * K : (i + 1) * K]

    return pl.pallas_call(
        body,
        out_shape=[jax.ShapeDtypeStruct((n, K), jnp.float32) for _ in range(nch)],
    )(x, w_f1, w_b1, *deg_t)


def _tc_mid(s1, g1, deg_t, b_f1, b_b1, w_f2, w_b2, n, d_hid):
    nch_in = len(g1)
    RB = 2000

    def body(*refs):
        s_refs = refs[:nch_in]
        g_refs = refs[nch_in : 2 * nch_in]
        deg0, deg1, bf_ref, bb_ref, wf_ref, wb_ref, o0, o1 = refs[2 * nch_in :]
        dinv = lax.rsqrt(deg0[:, 0:1] + deg1[:, 0:1] + 1.0)
        b1 = jnp.concatenate([bf_ref[...], bb_ref[...]])
        h1 = jnp.concatenate(
            [s_refs[i][...] + g_refs[i][...] for i in range(nch_in)], axis=1
        )
        h1 = dinv * h1 + b1[None, :]
        g2f = jnp.dot(h1[:, :d_hid], wf_ref[...], preferred_element_type=jnp.float32)
        g2b = jnp.dot(h1[:, d_hid:], wb_ref[...], preferred_element_type=jnp.float32)
        o0[...] = g2f * dinv
        o1[...] = g2b * dinv

    row_spec = pl.BlockSpec((RB, CW), lambda i: (i, 0))
    vec_spec = pl.BlockSpec((d_hid,), lambda i: (0,))
    mat_spec = pl.BlockSpec((d_hid, CW), lambda i: (0, 0))
    return pl.pallas_call(
        body,
        grid=(n // RB,),
        in_specs=[row_spec] * (2 * nch_in + 2) + [vec_spec] * 2 + [mat_spec] * 2,
        out_specs=[row_spec] * 2,
        out_shape=[jax.ShapeDtypeStruct((n, K), jnp.float32) for _ in range(2)],
    )(*s1, *g1, *deg_t, b_f1, b_b1, w_f2, w_b2)


def _tc_final(s2, g2, deg_t, b_f2, b_b2, gamma, beta, w_lin, b_lin, n, d_out):
    def body(s0, s1, g0, g1, deg0, deg1, bf_ref, bb_ref, gam_ref, bet_ref,
             wl_ref, bl_ref, out_ref):
        dinv = _dinv_col((deg0, deg1), n)
        b2 = jnp.concatenate([bf_ref[...], bb_ref[...]])
        h2 = jnp.concatenate(
            [s0[0:n, :] + g0[...], s1[0:n, :] + g1[...]], axis=1
        )
        h2 = dinv * h2 + b2[None, :]
        mean = jnp.mean(h2, axis=0, keepdims=True)
        cen = h2 - mean
        var = jnp.mean(cen * cen, axis=0, keepdims=True)
        hn = cen * lax.rsqrt(var + 1e-5)
        hn = hn * gam_ref[...][None, :] + bet_ref[...][None, :]
        out_ref[...] = (
            jnp.dot(hn, wl_ref[...], preferred_element_type=jnp.float32)
            + bl_ref[...][None, :]
        )

    return pl.pallas_call(
        body,
        out_shape=jax.ShapeDtypeStruct((n, d_out), jnp.float32),
    )(*s2, *g2, *deg_t, b_f2, b_b2, gamma, beta, w_lin, b_lin)


def kernel(x, edge_index, W_f1, b_f1, W_f2, b_f2, W_b1, b_b1, W_b2, b_b2,
           gamma, beta, W_lin, b_lin):
    n, _ = x.shape
    d_hid = W_f1.shape[1]
    d_out = W_f2.shape[1]
    e = edge_index.shape[1]

    ept = NS * EB
    nblk = ((e + ept - 1) // ept + 39) // 40 * 40
    epad = nblk * ept
    npad = (n // (NS * 8) + 2) * (NS * 8)

    src = edge_index[0].astype(jnp.int32)
    dst = edge_index[1].astype(jnp.int32)
    pad = epad - e
    arp = jnp.arange(pad, dtype=jnp.int32)
    trash = n + arp % (npad - n)
    src3 = jnp.concatenate([src, arp % n])
    dst3 = jnp.concatenate([dst, trash])
    src3 = src3.reshape(NS, nblk, EB)
    dst3 = dst3.reshape(NS, nblk, EB)

    ones_h = jnp.ones((EB, DEGW), jnp.float32)
    zeros16 = jnp.zeros((npad // NS, DEGW), jnp.float32)
    zerosK = jnp.zeros((npad // NS, CW), jnp.float32)

    deg_t = _sc_degree(dst3, ones_h, zeros16, npad, nblk)
    g1 = _tc_prep(x, W_f1, W_b1, deg_t, n, d_hid)
    s1 = _sc_spmm(g1, src3, dst3, zerosK, npad, nblk)
    g2 = _tc_mid(s1, g1, deg_t, b_f1, b_b1, W_f2, W_b2, n, d_hid)
    s2 = _sc_spmm(g2, src3, dst3, zerosK, npad, nblk)
    return _tc_final(s2, g2, deg_t, b_f2, b_b2, gamma, beta, W_lin, b_lin, n, d_out)

# --- scband reference (transcript-rebuilt; emitter-appended) ---
"""Pipeline reference for scband-bi-gcnencoder-12936441495942 (READ-ONLY COPY).

The authoritative reference and input builder live on the scoring server;
editing this copy changes nothing except your own understanding.
"""

import jax, jax.numpy as jnp
import numpy as np

N = 10000
E = 160000
D_IN = 256
D_HID = 256
D_OUT = 128


def _gcn_conv(x, src, dst, W, b, num_nodes):
    # PyG-style GCNConv with symmetric normalization (self-loops already added to src/dst)
    h = x @ W
    deg = jnp.zeros((num_nodes,), dtype=x.dtype).at[dst].add(1.0)
    dinv = jnp.where(deg > 0, jax.lax.rsqrt(deg), 0.0)
    norm = dinv[src] * dinv[dst]
    msg = h[src] * norm[:, None]
    out = jnp.zeros((num_nodes, h.shape[1]), dtype=x.dtype).at[dst].add(msg)
    return out + b


def setup_inputs(seed: int = 0) -> dict:
    key = jax.random.key(seed)
    ks = jax.random.split(key, 16)
    x = jax.random.normal(ks[0], (N, D_IN), dtype=jnp.float32)
    edge_index = jax.random.randint(ks[1], (2, E), 0, N, dtype=jnp.int64)
    s1 = 1.0 / np.sqrt(D_IN)
    s2 = 1.0 / np.sqrt(D_HID)
    W_f1 = jax.random.normal(ks[2], (D_IN, D_HID), dtype=jnp.float32) * s1
    b_f1 = jnp.zeros((D_HID,), dtype=jnp.float32)
    W_f2 = jax.random.normal(ks[3], (D_HID, D_OUT), dtype=jnp.float32) * s2
    b_f2 = jnp.zeros((D_OUT,), dtype=jnp.float32)
    W_b1 = jax.random.normal(ks[4], (D_IN, D_HID), dtype=jnp.float32) * s1
    b_b1 = jnp.zeros((D_HID,), dtype=jnp.float32)
    W_b2 = jax.random.normal(ks[5], (D_HID, D_OUT), dtype=jnp.float32) * s2
    b_b2 = jnp.zeros((D_OUT,), dtype=jnp.float32)
    gamma = jnp.ones((2 * D_OUT,), dtype=jnp.float32)
    beta = jnp.zeros((2 * D_OUT,), dtype=jnp.float32)
    W_lin = jax.random.normal(ks[6], (2 * D_OUT, D_OUT), dtype=jnp.float32) * (1.0 / np.sqrt(2 * D_OUT))
    b_lin = jnp.zeros((D_OUT,), dtype=jnp.float32)
    return {"x": x, "edge_index": edge_index, "W_f1": W_f1, "b_f1": b_f1, "W_f2": W_f2, "b_f2": b_f2, "W_b1": W_b1, "b_b1": b_b1, "W_b2": W_b2, "b_b2": b_b2, "gamma": gamma, "beta": beta, "W_lin": W_lin, "b_lin": b_lin}


def reference(x, edge_index, W_f1, b_f1, W_f2, b_f2, W_b1, b_b1, W_b2, b_b2, gamma, beta, W_lin, b_lin):
    # breaks = [0, seq_len] -> a single full-graph window for both directions
    loop = jnp.arange(N, dtype=edge_index.dtype)
    src = jnp.concatenate([edge_index[0], loop])
    dst = jnp.concatenate([edge_index[1], loop])
    # forward direction
    x_f = _gcn_conv(x, src, dst, W_f1, b_f1, N)
    x_f = _gcn_conv(x_f, src, dst, W_f2, b_f2, N)
    # backward direction
    x_b = _gcn_conv(x, src, dst, W_b1, b_b1, N)
    x_b = _gcn_conv(x_b, src, dst, W_b2, b_b2, N)
    h = jnp.concatenate([x_f, x_b], axis=1)
    # BatchNorm1d in training mode (fresh module): batch statistics, biased var, eps=1e-5
    mean = jnp.mean(h, axis=0)
    var = jnp.mean((h - mean) ** 2, axis=0)
    hn = (h - mean) * jax.lax.rsqrt(var + 1e-5)
    hn = hn * gamma + beta
    return hn @ W_lin + b_lin

if __name__ == "__main__":
    import jax
    _d = setup_inputs()
    print(jax.jit(kernel)(*tuple(_d.values())))

</pallas_src>

<mosaic_0001>
#map = affine_map<(d0, d1) -> (0, 0, 0)>
#map1 = affine_map<(d0, d1) -> (0, 0)>
module attributes {stable_mosaic.version = 14 : i64} {
  func.func @deg_kernel(%arg0: i32, %arg1: i32, %arg2: memref<16x40x128xi32, #tpu.memory_space<hbm>>, %arg3: memref<16x40x128xi32, #tpu.memory_space<hbm>>, %arg4: memref<128x128xf32, #tpu.memory_space<hbm>>, %arg5: memref<640x128xf32, #tpu.memory_space<hbm>>, %arg6: memref<10240x128xf32, #tpu.memory_space<hbm>>, %arg7: memref<10240x128xf32, #tpu.memory_space<hbm>>, %arg8: memref<10240x128xf32, #tpu.memory_space<vmem_shared>>, %arg9: memref<40x128xi32, #tpu.memory_space<vmem>>, %arg10: memref<128x128xf32, #tpu.memory_space<vmem>>, %arg11: memref<!tpu.dma_semaphore, #tpu.memory_space<semaphore_mem>>, %arg12: memref<!tpu.dma_semaphore, #tpu.memory_space<semaphore_mem>>) attributes {dimension_semantics = [#tpu.dimension_semantics<core_parallel>, #tpu.dimension_semantics<subcore_parallel>], iteration_bounds = array<i64: 2, 16>, scalar_prefetch = 0 : i64, scratch_operands = 5 : i64, tpu.core_type = #tpu.core_type<sc_vector_subcore>, window_params = [{transform_indices = #map}, {transform_indices = #map}, {transform_indices = #map1}, {transform_indices = #map1}, {transform_indices = #map1}, {transform_indices = #map1}]} {
    %mul3A = arith.constant 640 : i32
    %mul3A_0 = arith.muli %arg1, %mul3A : i32
    "tpu.region"() ({
      %run_scoped3A = tpu.sem_alloc : memref<!tpu.dma_semaphore, #tpu.memory_space<semaphore_mem>>
      %dma_start3A = arith.constant 0 : i32
      %dma_start3A_24 = tpu.memref_slice %arg8[%mul3A_0, %dma_start3A] : memref<10240x128xf32, #tpu.memory_space<vmem_shared>> -> memref<640x128xf32, #tpu.memory_space<vmem_shared>>
      tpu.enqueue_dma source(%arg5 : memref<640x128xf32, #tpu.memory_space<hbm>>) target(%dma_start3A_24 : memref<640x128xf32, #tpu.memory_space<vmem_shared>>) target_semaphore(%run_scoped3A : memref<!tpu.dma_semaphore, #tpu.memory_space<semaphore_mem>>)
      %dma_wait3A = arith.constant 0 : i32
      %dma_wait3A_25 = tpu.memref_slice %arg8[%mul3A_0, %dma_wait3A] : memref<10240x128xf32, #tpu.memory_space<vmem_shared>> -> memref<640x128xf32, #tpu.memory_space<vmem_shared>>
      tpu.wait_dma2 semaphore(%run_scoped3A : memref<!tpu.dma_semaphore, #tpu.memory_space<semaphore_mem>>) src(%arg5 : memref<640x128xf32, #tpu.memory_space<hbm>>) dst(%dma_wait3A_25 : memref<640x128xf32, #tpu.memory_space<vmem_shared>>)
      tpu.yield
    }) : () -> ()
    "tpu.region"() ({
      %run_scoped3A = tpu.sem_alloc : memref<!tpu.dma_semaphore, #tpu.memory_space<semaphore_mem>>
      tpu.enqueue_dma source(%arg4 : memref<128x128xf32, #tpu.memory_space<hbm>>) target(%arg10 : memref<128x128xf32, #tpu.memory_space<vmem>>) target_semaphore(%run_scoped3A : memref<!tpu.dma_semaphore, #tpu.memory_space<semaphore_mem>>)
      tpu.wait_dma2 semaphore(%run_scoped3A : memref<!tpu.dma_semaphore, #tpu.memory_space<semaphore_mem>>) src(%arg4 : memref<128x128xf32, #tpu.memory_space<hbm>>) dst(%arg10 : memref<128x128xf32, #tpu.memory_space<vmem>>)
      tpu.yield
    }) : () -> ()
    %eq3A = arith.constant 0 : i32
    %eq3A_1 = arith.cmpi eq, %arg0, %eq3A : i32
    %convert_element_type3A = arith.extui %eq3A_1 : i1 to i32
    %cond3A = arith.constant 0 : i32
    %cond3A_2 = arith.cmpi ne, %convert_element_type3A, %cond3A : i32
    scf.if %cond3A_2 {
      "tpu.region"() ({
        %run_scoped3A = tpu.sem_alloc : memref<!tpu.dma_semaphore, #tpu.memory_space<semaphore_mem>>
        %dma_start3A = arith.constant 0 : i32
        %dma_start3A_24 = arith.constant 0 : i32
        %dma_start3A_25 = tpu.memref_slice %arg2[%arg1, %dma_start3A, %dma_start3A_24] : memref<16x40x128xi32, #tpu.memory_space<hbm>> -> memref<1x40x128xi32, #tpu.memory_space<hbm>>
        %dma_start3A_26 = tpu.memref_squeeze %dma_start3A_25 : memref<1x40x128xi32, #tpu.memory_space<hbm>> -> memref<40x128xi32, #tpu.memory_space<hbm>>
        %dma_start3A_27 = arith.constant 0 : i32
        %dma_start3A_28 = arith.constant 0 : i32
        %dma_start3A_29 = tpu.memref_slice %arg2[%arg1, %dma_start3A_27, %dma_start3A_28] : memref<16x40x128xi32, #tpu.memory_space<hbm>> -> memref<1x40x128xi32, #tpu.memory_space<hbm>>
        %dma_start3A_30 = tpu.memref_squeeze %dma_start3A_29 : memref<1x40x128xi32, #tpu.memory_space<hbm>> -> memref<40x128xi32, #tpu.memory_space<hbm>>
        tpu.enqueue_dma source(%dma_start3A_30 : memref<40x128xi32, #tpu.memory_space<hbm>>) target(%arg9 : memref<40x128xi32, #tpu.memory_space<vmem>>) target_semaphore(%run_scoped3A : memref<!tpu.dma_semaphore, #tpu.memory_space<semaphore_mem>>)
        %dma_wait3A = arith.constant 0 : i32
        %dma_wait3A_31 = arith.constant 0 : i32
        %dma_wait3A_32 = tpu.memref_slice %arg2[%arg1, %dma_wait3A, %dma_wait3A_31] : memref<16x40x128xi32, #tpu.memory_space<hbm>> -> memref<1x40x128xi32, #tpu.memory_space<hbm>>
        %dma_wait3A_33 = tpu.memref_squeeze %dma_wait3A_32 : memref<1x40x128xi32, #tpu.memory_space<hbm>> -> memref<40x128xi32, #tpu.memory_space<hbm>>
        %dma_wait3A_34 = arith.constant 0 : i32
        %dma_wait3A_35 = arith.constant 0 : i32
        %dma_wait3A_36 = tpu.memref_slice %arg2[%arg1, %dma_wait3A_34, %dma_wait3A_35] : memref<16x40x128xi32, #tpu.memory_space<hbm>> -> memref<1x40x128xi32, #tpu.memory_space<hbm>>
        %dma_wait3A_37 = tpu.memref_squeeze %dma_wait3A_36 : memref<1x40x128xi32, #tpu.memory_space<hbm>> -> memref<40x128xi32, #tpu.memory_space<hbm>>
        tpu.wait_dma2 semaphore(%run_scoped3A : memref<!tpu.dma_semaphore, #tpu.memory_space<semaphore_mem>>) src(%dma_wait3A_37 : memref<40x128xi32, #tpu.memory_space<hbm>>) dst(%arg9 : memref<40x128xi32, #tpu.memory_space<vmem>>)
        tpu.yield
      }) : () -> ()
    } else {
    }
    %eq3A_3 = arith.constant 1 : i32
    %eq3A_4 = arith.cmpi eq, %arg0, %eq3A_3 : i32
    %convert_element_type3A_5 = arith.extui %eq3A_4 : i1 to i32
    %cond3A_6 = arith.constant 0 : i32
    %cond3A_7 = arith.cmpi ne, %convert_element_type3A_5, %cond3A_6 : i32
    scf.if %cond3A_7 {
      "tpu.region"() ({
        %run_scoped3A = tpu.sem_alloc : memref<!tpu.dma_semaphore, #tpu.memory_space<semaphore_mem>>
        %dma_start3A = arith.constant 0 : i32
        %dma_start3A_24 = arith.constant 0 : i32
        %dma_start3A_25 = tpu.memref_slice %arg3[%arg1, %dma_start3A, %dma_start3A_24] : memref<16x40x128xi32, #tpu.memory_space<hbm>> -> memref<1x40x128xi32, #tpu.memory_space<hbm>>
        %dma_start3A_26 = tpu.memref_squeeze %dma_start3A_25 : memref<1x40x128xi32, #tpu.memory_space<hbm>> -> memref<40x128xi32, #tpu.memory_space<hbm>>
        %dma_start3A_27 = arith.constant 0 : i32
        %dma_start3A_28 = arith.constant 0 : i32
        %dma_start3A_29 = tpu.memref_slice %arg3[%arg1, %dma_start3A_27, %dma_start3A_28] : memref<16x40x128xi32, #tpu.memory_space<hbm>> -> memref<1x40x128xi32, #tpu.memory_space<hbm>>
        %dma_start3A_30 = tpu.memref_squeeze %dma_start3A_29 : memref<1x40x128xi32, #tpu.memory_space<hbm>> -> memref<40x128xi32, #tpu.memory_space<hbm>>
        tpu.enqueue_dma source(%dma_start3A_30 : memref<40x128xi32, #tpu.memory_space<hbm>>) target(%arg9 : memref<40x128xi32, #tpu.memory_space<vmem>>) target_semaphore(%run_scoped3A : memref<!tpu.dma_semaphore, #tpu.memory_space<semaphore_mem>>)
        %dma_wait3A = arith.constant 0 : i32
        %dma_wait3A_31 = arith.constant 0 : i32
        %dma_wait3A_32 = tpu.memref_slice %arg3[%arg1, %dma_wait3A, %dma_wait3A_31] : memref<16x40x128xi32, #tpu.memory_space<hbm>> -> memref<1x40x128xi32, #tpu.memory_space<hbm>>
        %dma_wait3A_33 = tpu.memref_squeeze %dma_wait3A_32 : memref<1x40x128xi32, #tpu.memory_space<hbm>> -> memref<40x128xi32, #tpu.memory_space<hbm>>
        %dma_wait3A_34 = arith.constant 0 : i32
        %dma_wait3A_35 = arith.constant 0 : i32
        %dma_wait3A_36 = tpu.memref_slice %arg3[%arg1, %dma_wait3A_34, %dma_wait3A_35] : memref<16x40x128xi32, #tpu.memory_space<hbm>> -> memref<1x40x128xi32, #tpu.memory_space<hbm>>
        %dma_wait3A_37 = tpu.memref_squeeze %dma_wait3A_36 : memref<1x40x128xi32, #tpu.memory_space<hbm>> -> memref<40x128xi32, #tpu.memory_space<hbm>>
        tpu.wait_dma2 semaphore(%run_scoped3A : memref<!tpu.dma_semaphore, #tpu.memory_space<semaphore_mem>>) src(%dma_wait3A_37 : memref<40x128xi32, #tpu.memory_space<hbm>>) dst(%arg9 : memref<40x128xi32, #tpu.memory_space<vmem>>)
        tpu.yield
      }) : () -> ()
    } else {
    }
    %barrier3A = arith.constant 0 : index
    tpu.barrier barrier_id(%barrier3A)
    %scan3A = arith.constant 0 : i32
    %scan3A_8 = arith.constant 0 : i32
    %scan3A_9 = arith.constant 20 : i32
    %scan3A_10 = arith.addi %scan3A_8, %scan3A_9 : i32
    %scan3A_11 = arith.constant 1 : i32
    scf.for %scan3A_24 = %scan3A_8 to %scan3A_10 step %scan3A_11  : i32 {
      %mul3A_25 = arith.constant 2 : i32
      %mul3A_26 = arith.muli %mul3A_25, %scan3A_24 : i32
      %dma_start3A = arith.constant 0 : i32
      %dma_start3A_27 = tpu.memref_slice %arg9[%mul3A_26, %dma_start3A] : memref<40x128xi32, #tpu.memory_space<vmem>> -> memref<1x128xi32, #tpu.memory_space<vmem>>
      %dma_start3A_28 = tpu.memref_squeeze %dma_start3A_27 : memref<1x128xi32, #tpu.memory_space<vmem>> -> memref<128xi32, #tpu.memory_space<vmem>>
      %dma_start3A_29 = arith.constant 0 : i32
      %dma_start3A_30 = arith.constant 0 : i32
      %dma_start3A_31 = tpu.memref_slice %arg8[%dma_start3A_29, %dma_start3A_30] : memref<10240x128xf32, #tpu.memory_space<vmem_shared>> -> memref<10240x128xf32, #tpu.memory_space<vmem_shared>>
      tpu.enqueue_indirect_dma source(%arg10 : memref<128x128xf32, #tpu.memory_space<vmem>>) target(%dma_start3A_31 : memref<10240x128xf32, #tpu.memory_space<vmem_shared>>) offsets(%dma_start3A_28 : memref<128xi32, #tpu.memory_space<vmem>>) semaphore(%arg11 : memref<!tpu.dma_semaphore, #tpu.memory_space<semaphore_mem>>) {add = true}
      %mul3A_32 = arith.constant 2 : i32
      %mul3A_33 = arith.muli %mul3A_32, %scan3A_24 : i32
      %add3A = arith.constant 1 : i32
      %add3A_34 = arith.addi %mul3A_33, %add3A : i32
      %dma_start3A_35 = arith.constant 0 : i32
      %dma_start3A_36 = tpu.memref_slice %arg9[%add3A_34, %dma_start3A_35] : memref<40x128xi32, #tpu.memory_space<vmem>> -> memref<1x128xi32, #tpu.memory_space<vmem>>
      %dma_start3A_37 = tpu.memref_squeeze %dma_start3A_36 : memref<1x128xi32, #tpu.memory_space<vmem>> -> memref<128xi32, #tpu.memory_space<vmem>>
      %dma_start3A_38 = arith.constant 0 : i32
      %dma_start3A_39 = arith.constant 0 : i32
      %dma_start3A_40 = tpu.memref_slice %arg8[%dma_start3A_38, %dma_start3A_39] : memref<10240x128xf32, #tpu.memory_space<vmem_shared>> -> memref<10240x128xf32, #tpu.memory_space<vmem_shared>>
      tpu.enqueue_indirect_dma source(%arg10 : memref<128x128xf32, #tpu.memory_space<vmem>>) target(%dma_start3A_40 : memref<10240x128xf32, #tpu.memory_space<vmem_shared>>) offsets(%dma_start3A_37 : memref<128xi32, #tpu.memory_space<vmem>>) semaphore(%arg12 : memref<!tpu.dma_semaphore, #tpu.memory_space<semaphore_mem>>) {add = true}
      %mul3A_41 = arith.constant 2 : i32
      %mul3A_42 = arith.muli %mul3A_41, %scan3A_24 : i32
      %dma_wait3A = arith.constant 0 : i32
      %dma_wait3A_43 = tpu.memref_slice %arg9[%mul3A_42, %dma_wait3A] : memref<40x128xi32, #tpu.memory_space<vmem>> -> memref<1x128xi32, #tpu.memory_space<vmem>>
      %dma_wait3A_44 = tpu.memref_squeeze %dma_wait3A_43 : memref<1x128xi32, #tpu.memory_space<vmem>> -> memref<128xi32, #tpu.memory_space<vmem>>
      %dma_wait3A_45 = arith.constant 0 : i32
      %dma_wait3A_46 = arith.constant 0 : i32
      %dma_wait3A_47 = tpu.memref_slice %arg8[%dma_wait3A_45, %dma_wait3A_46] : memref<10240x128xf32, #tpu.memory_space<vmem_shared>> -> memref<10240x128xf32, #tpu.memory_space<vmem_shared>>
      tpu.wait_indirect_dma semaphore(%arg11 : memref<!tpu.dma_semaphore, #tpu.memory_space<semaphore_mem>>) src(%arg10 : memref<128x128xf32, #tpu.memory_space<vmem>>) dst(%dma_wait3A_47 : memref<10240x128xf32, #tpu.memory_space<vmem_shared>>)
      %mul3A_48 = arith.constant 2 : i32
      %mul3A_49 = arith.muli %mul3A_48, %scan3A_24 : i32
      %add3A_50 = arith.constant 1 : i32
      %add3A_51 = arith.addi %mul3A_49, %add3A_50 : i32
      %dma_wait3A_52 = arith.constant 0 : i32
      %dma_wait3A_53 = tpu.memref_slice %arg9[%add3A_51, %dma_wait3A_52] : memref<40x128xi32, #tpu.memory_space<vmem>> -> memref<1x128xi32, #tpu.memory_space<vmem>>
      %dma_wait3A_54 = tpu.memref_squeeze %dma_wait3A_53 : memref<1x128xi32, #tpu.memory_space<vmem>> -> memref<128xi32, #tpu.memory_space<vmem>>
      %dma_wait3A_55 = arith.constant 0 : i32
      %dma_wait3A_56 = arith.constant 0 : i32
      %dma_wait3A_57 = tpu.memref_slice %arg8[%dma_wait3A_55, %dma_wait3A_56] : memref<10240x128xf32, #tpu.memory_space<vmem_shared>> -> memref<10240x128xf32, #tpu.memory_space<vmem_shared>>
      tpu.wait_indirect_dma semaphore(%arg12 : memref<!tpu.dma_semaphore, #tpu.memory_space<semaphore_mem>>) src(%arg10 : memref<128x128xf32, #tpu.memory_space<vmem>>) dst(%dma_wait3A_57 : memref<10240x128xf32, #tpu.memory_space<vmem_shared>>)
    }
    %scan3A_12 = arith.constant 20 : i32
    %barrier3A_13 = arith.constant 0 : index
    tpu.barrier barrier_id(%barrier3A_13)
    %eq3A_14 = arith.constant 0 : i32
    %eq3A_15 = arith.cmpi eq, %arg0, %eq3A_14 : i32
    %convert_element_type3A_16 = arith.extui %eq3A_15 : i1 to i32
    %cond3A_17 = arith.constant 0 : i32
    %cond3A_18 = arith.cmpi ne, %convert_element_type3A_16, %cond3A_17 : i32
    scf.if %cond3A_18 {
      %mul3A_24 = arith.constant 640 : i32
      %mul3A_25 = arith.muli %arg1, %mul3A_24 : i32
      %mul3A_26 = arith.constant 640 : i32
      %mul3A_27 = arith.muli %arg1, %mul3A_26 : i32
      "tpu.region"() ({
        %run_scoped3A = tpu.sem_alloc : memref<!tpu.dma_semaphore, #tpu.memory_space<semaphore_mem>>
        %dma_start3A = arith.constant 0 : i32
        %dma_start3A_28 = tpu.memref_slice %arg6[%mul3A_27, %dma_start3A] : memref<10240x128xf32, #tpu.memory_space<hbm>> -> memref<640x128xf32, #tpu.memory_space<hbm>>
        %dma_start3A_29 = arith.constant 0 : i32
        %dma_start3A_30 = tpu.memref_slice %arg8[%mul3A_25, %dma_start3A_29] : memref<10240x128xf32, #tpu.memory_space<vmem_shared>> -> memref<640x128xf32, #tpu.memory_space<vmem_shared>>
        tpu.enqueue_dma source(%dma_start3A_30 : memref<640x128xf32, #tpu.memory_space<vmem_shared>>) target(%dma_start3A_28 : memref<640x128xf32, #tpu.memory_space<hbm>>) target_semaphore(%run_scoped3A : memref<!tpu.dma_semaphore, #tpu.memory_space<semaphore_mem>>)
        %dma_wait3A = arith.constant 0 : i32
        %dma_wait3A_31 = tpu.memref_slice %arg6[%mul3A_27, %dma_wait3A] : memref<10240x128xf32, #tpu.memory_space<hbm>> -> memref<640x128xf32, #tpu.memory_space<hbm>>
        %dma_wait3A_32 = arith.constant 0 : i32
        %dma_wait3A_33 = tpu.memref_slice %arg8[%mul3A_25, %dma_wait3A_32] : memref<10240x128xf32, #tpu.memory_space<vmem_shared>> -> memref<640x128xf32, #tpu.memory_space<vmem_shared>>
        tpu.wait_dma2 semaphore(%run_scoped3A : memref<!tpu.dma_semaphore, #tpu.memory_space<semaphore_mem>>) src(%dma_wait3A_33 : memref<640x128xf32, #tpu.memory_space<vmem_shared>>) dst(%dma_wait3A_31 : memref<640x128xf32, #tpu.memory_space<hbm>>)
        tpu.yield
      }) : () -> ()
    } else {
    }
    %eq3A_19 = arith.constant 1 : i32
    %eq3A_20 = arith.cmpi eq, %arg0, %eq3A_19 : i32
    %convert_element_type3A_21 = arith.extui %eq3A_20 : i1 to i32
    %cond3A_22 = arith.constant 0 : i32
    %cond3A_23 = arith.cmpi ne, %convert_element_type3A_21, %cond3A_22 : i32
    scf.if %cond3A_23 {
      %mul3A_24 = arith.constant 640 : i32
      %mul3A_25 = arith.muli %arg1, %mul3A_24 : i32
      %mul3A_26 = arith.constant 640 : i32
      %mul3A_27 = arith.muli %arg1, %mul3A_26 : i32
      "tpu.region"() ({
        %run_scoped3A = tpu.sem_alloc : memref<!tpu.dma_semaphore, #tpu.memory_space<semaphore_mem>>
        %dma_start3A = arith.constant 0 : i32
        %dma_start3A_28 = tpu.memref_slice %arg7[%mul3A_27, %dma_start3A] : memref<10240x128xf32, #tpu.memory_space<hbm>> -> memref<640x128xf32, #tpu.memory_space<hbm>>
        %dma_start3A_29 = arith.constant 0 : i32
        %dma_start3A_30 = tpu.memref_slice %arg8[%mul3A_25, %dma_start3A_29] : memref<10240x128xf32, #tpu.memory_space<vmem_shared>> -> memref<640x128xf32, #tpu.memory_space<vmem_shared>>
        tpu.enqueue_dma source(%dma_start3A_30 : memref<640x128xf32, #tpu.memory_space<vmem_shared>>) target(%dma_start3A_28 : memref<640x128xf32, #tpu.memory_space<hbm>>) target_semaphore(%run_scoped3A : memref<!tpu.dma_semaphore, #tpu.memory_space<semaphore_mem>>)
        %dma_wait3A = arith.constant 0 : i32
        %dma_wait3A_31 = tpu.memref_slice %arg7[%mul3A_27, %dma_wait3A] : memref<10240x128xf32, #tpu.memory_space<hbm>> -> memref<640x128xf32, #tpu.memory_space<hbm>>
        %dma_wait3A_32 = arith.constant 0 : i32
        %dma_wait3A_33 = tpu.memref_slice %arg8[%mul3A_25, %dma_wait3A_32] : memref<10240x128xf32, #tpu.memory_space<vmem_shared>> -> memref<640x128xf32, #tpu.memory_space<vmem_shared>>
        tpu.wait_dma2 semaphore(%run_scoped3A : memref<!tpu.dma_semaphore, #tpu.memory_space<semaphore_mem>>) src(%dma_wait3A_33 : memref<640x128xf32, #tpu.memory_space<vmem_shared>>) dst(%dma_wait3A_31 : memref<640x128xf32, #tpu.memory_space<hbm>>)
        tpu.yield
      }) : () -> ()
    } else {
    }
    return
  }
}

#map = affine_map<(d0, d1) -> (0, 0, 0)>
#map1 = affine_map<(d0, d1) -> (0, 0)>
module attributes {stable_mosaic.version = 14 : i64} {
  func.func @spmm_kernel(%arg0: i32, %arg1: i32, %arg2: memref<16x80x128xi32, #tpu.memory_space<hbm>>, %arg3: memref<16x80x128xi32, #tpu.memory_space<hbm>>, %arg4: memref<640x128xf32, #tpu.memory_space<hbm>>, %arg5: memref<10000x128xf32, #tpu.memory_space<hbm>>, %arg6: memref<10000x128xf32, #tpu.memory_space<hbm>>, %arg7: memref<10000x128xf32, #tpu.memory_space<hbm>>, %arg8: memref<10000x128xf32, #tpu.memory_space<hbm>>, %arg9: memref<10240x128xf32, #tpu.memory_space<hbm>>, %arg10: memref<10240x128xf32, #tpu.memory_space<hbm>>, %arg11: memref<10240x128xf32, #tpu.memory_space<hbm>>, %arg12: memref<10240x128xf32, #tpu.memory_space<hbm>>, %arg13: memref<10240x128xf32, #tpu.memory_space<vmem_shared>>, %arg14: memref<80x128xi32, #tpu.memory_space<vmem>>, %arg15: memref<80x128xi32, #tpu.memory_space<vmem>>, %arg16: memref<128x128xf32, #tpu.memory_space<vmem>>, %arg17: memref<!tpu.dma_semaphore, #tpu.memory_space<semaphore_mem>>) attributes {dimension_semantics = [#tpu.dimension_semantics<core_parallel>, #tpu.dimension_semantics<subcore_parallel>], iteration_bounds = array<i64: 2, 16>, scalar_prefetch = 0 : i64, scratch_operands = 5 : i64, tpu.core_type = #tpu.core_type<sc_vector_subcore>, window_params = [{transform_indices = #map}, {transform_indices = #map}, {transform_indices = #map1}, {transform_indices = #map1}, {transform_indices = #map1}, {transform_indices = #map1}, {transform_indices = #map1}, {transform_indices = #map1}, {transform_indices = #map1}, {transform_indices = #map1}, {transform_indices = #map1}]} {
    "tpu.region"() ({
      %run_scoped3A = tpu.sem_alloc : memref<!tpu.dma_semaphore, #tpu.memory_space<semaphore_mem>>
      %dma_start3A = arith.constant 0 : i32
      %dma_start3A_17 = arith.constant 0 : i32
      %dma_start3A_18 = tpu.memref_slice %arg2[%arg1, %dma_start3A, %dma_start3A_17] : memref<16x80x128xi32, #tpu.memory_space<hbm>> -> memref<1x80x128xi32, #tpu.memory_space<hbm>>
      %dma_start3A_19 = tpu.memref_squeeze %dma_start3A_18 : memref<1x80x128xi32, #tpu.memory_space<hbm>> -> memref<80x128xi32, #tpu.memory_space<hbm>>
      %dma_start3A_20 = arith.constant 0 : i32
      %dma_start3A_21 = arith.constant 0 : i32
      %dma_start3A_22 = tpu.memref_slice %arg2[%arg1, %dma_start3A_20, %dma_start3A_21] : memref<16x80x128xi32, #tpu.memory_space<hbm>> -> memref<1x80x128xi32, #tpu.memory_space<hbm>>
      %dma_start3A_23 = tpu.memref_squeeze %dma_start3A_22 : memref<1x80x128xi32, #tpu.memory_space<hbm>> -> memref<80x128xi32, #tpu.memory_space<hbm>>
      tpu.enqueue_dma source(%dma_start3A_23 : memref<80x128xi32, #tpu.memory_space<hbm>>) target(%arg14 : memref<80x128xi32, #tpu.memory_space<vmem>>) target_semaphore(%run_scoped3A : memref<!tpu.dma_semaphore, #tpu.memory_space<semaphore_mem>>)
      %dma_wait3A = arith.constant 0 : i32
      %dma_wait3A_24 = arith.constant 0 : i32
      %dma_wait3A_25 = tpu.memref_slice %arg2[%arg1, %dma_wait3A, %dma_wait3A_24] : memref<16x80x128xi32, #tpu.memory_space<hbm>> -> memref<1x80x128xi32, #tpu.memory_space<hbm>>
      %dma_wait3A_26 = tpu.memref_squeeze %dma_wait3A_25 : memref<1x80x128xi32, #tpu.memory_space<hbm>> -> memref<80x128xi32, #tpu.memory_space<hbm>>
      %dma_wait3A_27 = arith.constant 0 : i32
      %dma_wait3A_28 = arith.constant 0 : i32
      %dma_wait3A_29 = tpu.memref_slice %arg2[%arg1, %dma_wait3A_27, %dma_wait3A_28] : memref<16x80x128xi32, #tpu.memory_space<hbm>> -> memref<1x80x128xi32, #tpu.memory_space<hbm>>
      %dma_wait3A_30 = tpu.memref_squeeze %dma_wait3A_29 : memref<1x80x128xi32, #tpu.memory_space<hbm>> -> memref<80x128xi32, #tpu.memory_space<hbm>>
      tpu.wait_dma2 semaphore(%run_scoped3A : memref<!tpu.dma_semaphore, #tpu.memory_space<semaphore_mem>>) src(%dma_wait3A_30 : memref<80x128xi32, #tpu.memory_space<hbm>>) dst(%arg14 : memref<80x128xi32, #tpu.memory_space<vmem>>)
      tpu.yield
    }) : () -> ()
    "tpu.region"() ({
      %run_scoped3A = tpu.sem_alloc : memref<!tpu.dma_semaphore, #tpu.memory_space<semaphore_mem>>
      %dma_start3A = arith.constant 0 : i32
      %dma_start3A_17 = arith.constant 0 : i32
      %dma_start3A_18 = tpu.memref_slice %arg3[%arg1, %dma_start3A, %dma_start3A_17] : memref<16x80x128xi32, #tpu.memory_space<hbm>> -> memref<1x80x128xi32, #tpu.memory_space<hbm>>
      %dma_start3A_19 = tpu.memref_squeeze %dma_start3A_18 : memref<1x80x128xi32, #tpu.memory_space<hbm>> -> memref<80x128xi32, #tpu.memory_space<hbm>>
      %dma_start3A_20 = arith.constant 0 : i32
      %dma_start3A_21 = arith.constant 0 : i32
      %dma_start3A_22 = tpu.memref_slice %arg3[%arg1, %dma_start3A_20, %dma_start3A_21] : memref<16x80x128xi32, #tpu.memory_space<hbm>> -> memref<1x80x128xi32, #tpu.memory_space<hbm>>
      %dma_start3A_23 = tpu.memref_squeeze %dma_start3A_22 : memref<1x80x128xi32, #tpu.memory_space<hbm>> -> memref<80x128xi32, #tpu.memory_space<hbm>>
      tpu.enqueue_dma source(%dma_start3A_23 : memref<80x128xi32, #tpu.memory_space<hbm>>) target(%arg15 : memref<80x128xi32, #tpu.memory_space<vmem>>) target_semaphore(%run_scoped3A : memref<!tpu.dma_semaphore, #tpu.memory_space<semaphore_mem>>)
      %dma_wait3A = arith.constant 0 : i32
      %dma_wait3A_24 = arith.constant 0 : i32
      %dma_wait3A_25 = tpu.memref_slice %arg3[%arg1, %dma_wait3A, %dma_wait3A_24] : memref<16x80x128xi32, #tpu.memory_space<hbm>> -> memref<1x80x128xi32, #tpu.memory_space<hbm>>
      %dma_wait3A_26 = tpu.memref_squeeze %dma_wait3A_25 : memref<1x80x128xi32, #tpu.memory_space<hbm>> -> memref<80x128xi32, #tpu.memory_space<hbm>>
      %dma_wait3A_27 = arith.constant 0 : i32
      %dma_wait3A_28 = arith.constant 0 : i32
      %dma_wait3A_29 = tpu.memref_slice %arg3[%arg1, %dma_wait3A_27, %dma_wait3A_28] : memref<16x80x128xi32, #tpu.memory_space<hbm>> -> memref<1x80x128xi32, #tpu.memory_space<hbm>>
      %dma_wait3A_30 = tpu.memref_squeeze %dma_wait3A_29 : memref<1x80x128xi32, #tpu.memory_space<hbm>> -> memref<80x128xi32, #tpu.memory_space<hbm>>
      tpu.wait_dma2 semaphore(%run_scoped3A : memref<!tpu.dma_semaphore, #tpu.memory_space<semaphore_mem>>) src(%dma_wait3A_30 : memref<80x128xi32, #tpu.memory_space<hbm>>) dst(%arg15 : memref<80x128xi32, #tpu.memory_space<vmem>>)
      tpu.yield
    }) : () -> ()
    %eq3A = arith.constant 0 : i32
    %eq3A_0 = arith.cmpi eq, %arg0, %eq3A : i32
    %convert_element_type3A = arith.extui %eq3A_0 : i1 to i32
    %cond3A = arith.constant 0 : i32
    %cond3A_1 = arith.cmpi ne, %convert_element_type3A, %cond3A : i32
    scf.if %cond3A_1 {
      %mul3A = arith.constant 640 : i32
      %mul3A_17 = arith.muli %arg1, %mul3A : i32
      "tpu.region"() ({
        %run_scoped3A = tpu.sem_alloc : memref<!tpu.dma_semaphore, #tpu.memory_space<semaphore_mem>>
        %dma_start3A = arith.constant 0 : i32
        %dma_start3A_29 = tpu.memref_slice %arg13[%mul3A_17, %dma_start3A] : memref<10240x128xf32, #tpu.memory_space<vmem_shared>> -> memref<640x128xf32, #tpu.memory_space<vmem_shared>>
        tpu.enqueue_dma source(%arg4 : memref<640x128xf32, #tpu.memory_space<hbm>>) target(%dma_start3A_29 : memref<640x128xf32, #tpu.memory_space<vmem_shared>>) target_semaphore(%run_scoped3A : memref<!tpu.dma_semaphore, #tpu.memory_space<semaphore_mem>>)
        %dma_wait3A = arith.constant 0 : i32
        %dma_wait3A_30 = tpu.memref_slice %arg13[%mul3A_17, %dma_wait3A] : memref<10240x128xf32, #tpu.memory_space<vmem_shared>> -> memref<640x128xf32, #tpu.memory_space<vmem_shared>>
        tpu.wait_dma2 semaphore(%run_scoped3A : memref<!tpu.dma_semaphore, #tpu.memory_space<semaphore_mem>>) src(%arg4 : memref<640x128xf32, #tpu.memory_space<hbm>>) dst(%dma_wait3A_30 : memref<640x128xf32, #tpu.memory_space<vmem_shared>>)
        tpu.yield
      }) : () -> ()
      %barrier3A = arith.constant 0 : index
      tpu.barrier barrier_id(%barrier3A)
      %scan3A = arith.constant 0 : i32
      %scan3A_18 = arith.constant 0 : i32
      %scan3A_19 = arith.constant 80 : i32
      %scan3A_20 = arith.addi %scan3A_18, %scan3A_19 : i32
      %scan3A_21 = arith.constant 1 : i32
      scf.for %scan3A_29 = %scan3A_18 to %scan3A_20 step %scan3A_21  : i32 {
        %dma_start3A = arith.constant 0 : i32
        %dma_start3A_30 = tpu.memref_slice %arg14[%scan3A_29, %dma_start3A] : memref<80x128xi32, #tpu.memory_space<vmem>> -> memref<1x128xi32, #tpu.memory_space<vmem>>
        %dma_start3A_31 = tpu.memref_squeeze %dma_start3A_30 : memref<1x128xi32, #tpu.memory_space<vmem>> -> memref<128xi32, #tpu.memory_space<vmem>>
        %dma_start3A_32 = arith.constant 0 : i32
        %dma_start3A_33 = arith.constant 0 : i32
        %dma_start3A_34 = tpu.memref_slice %arg5[%dma_start3A_32, %dma_start3A_33] : memref<10000x128xf32, #tpu.memory_space<hbm>> -> memref<10000x128xf32, #tpu.memory_space<hbm>>
        tpu.enqueue_indirect_dma source(%dma_start3A_34 : memref<10000x128xf32, #tpu.memory_space<hbm>>) target(%arg16 : memref<128x128xf32, #tpu.memory_space<vmem>>) offsets(%dma_start3A_31 : memref<128xi32, #tpu.memory_space<vmem>>) semaphore(%arg17 : memref<!tpu.dma_semaphore, #tpu.memory_space<semaphore_mem>>)
        %dma_wait3A = arith.constant 0 : i32
        %dma_wait3A_35 = tpu.memref_slice %arg14[%scan3A_29, %dma_wait3A] : memref<80x128xi32, #tpu.memory_space<vmem>> -> memref<1x128xi32, #tpu.memory_space<vmem>>
        %dma_wait3A_36 = tpu.memref_squeeze %dma_wait3A_35 : memref<1x128xi32, #tpu.memory_space<vmem>> -> memref<128xi32, #tpu.memory_space<vmem>>
        %dma_wait3A_37 = arith.constant 0 : i32
        %dma_wait3A_38 = arith.constant 0 : i32
        %dma_wait3A_39 = tpu.memref_slice %arg5[%dma_wait3A_37, %dma_wait3A_38] : memref<10000x128xf32, #tpu.memory_space<hbm>> -> memref<10000x128xf32, #tpu.memory_space<hbm>>
        tpu.wait_indirect_dma semaphore(%arg17 : memref<!tpu.dma_semaphore, #tpu.memory_space<semaphore_mem>>) src(%dma_wait3A_39 : memref<10000x128xf32, #tpu.memory_space<hbm>>) dst(%arg16 : memref<128x128xf32, #tpu.memory_space<vmem>>)
        "tpu.region"() ({
          %run_scoped3A = tpu.sem_alloc : memref<!tpu.dma_semaphore, #tpu.memory_space<semaphore_mem>>
          %dma_start3A_40 = arith.constant 0 : i32
          %dma_start3A_41 = tpu.memref_slice %arg15[%scan3A_29, %dma_start3A_40] : memref<80x128xi32, #tpu.memory_space<vmem>> -> memref<1x128xi32, #tpu.memory_space<vmem>>
          %dma_start3A_42 = tpu.memref_squeeze %dma_start3A_41 : memref<1x128xi32, #tpu.memory_space<vmem>> -> memref<128xi32, #tpu.memory_space<vmem>>
          %dma_start3A_43 = arith.constant 0 : i32
          %dma_start3A_44 = arith.constant 0 : i32
          %dma_start3A_45 = tpu.memref_slice %arg13[%dma_start3A_43, %dma_start3A_44] : memref<10240x128xf32, #tpu.memory_space<vmem_shared>> -> memref<10240x128xf32, #tpu.memory_space<vmem_shared>>
          tpu.enqueue_indirect_dma source(%arg16 : memref<128x128xf32, #tpu.memory_space<vmem>>) target(%dma_start3A_45 : memref<10240x128xf32, #tpu.memory_space<vmem_shared>>) offsets(%dma_start3A_42 : memref<128xi32, #tpu.memory_space<vmem>>) semaphore(%run_scoped3A : memref<!tpu.dma_semaphore, #tpu.memory_space<semaphore_mem>>) {add = true}
          %dma_wait3A_46 = arith.constant 0 : i32
          %dma_wait3A_47 = tpu.memref_slice %arg15[%scan3A_29, %dma_wait3A_46] : memref<80x128xi32, #tpu.memory_space<vmem>> -> memref<1x128xi32, #tpu.memory_space<vmem>>
          %dma_wait3A_48 = tpu.memref_squeeze %dma_wait3A_47 : memref<1x128xi32, #tpu.memory_space<vmem>> -> memref<128xi32, #tpu.memory_space<vmem>>
          %dma_wait3A_49 = arith.constant 0 : i32
          %dma_wait3A_50 = arith.constant 0 : i32
          %dma_wait3A_51 = tpu.memref_slice %arg13[%dma_wait3A_49, %dma_wait3A_50] : memref<10240x128xf32, #tpu.memory_space<vmem_shared>> -> memref<10240x128xf32, #tpu.memory_space<vmem_shared>>
          tpu.wait_indirect_dma semaphore(%run_scoped3A : memref<!tpu.dma_semaphore, #tpu.memory_space<semaphore_mem>>) src(%arg16 : memref<128x128xf32, #tpu.memory_space<vmem>>) dst(%dma_wait3A_51 : memref<10240x128xf32, #tpu.memory_space<vmem_shared>>)
          tpu.yield
        }) : () -> ()
      }
      %scan3A_22 = arith.constant 80 : i32
      %barrier3A_23 = arith.constant 0 : index
      tpu.barrier barrier_id(%barrier3A_23)
      %mul3A_24 = arith.constant 640 : i32
      %mul3A_25 = arith.muli %arg1, %mul3A_24 : i32
      %mul3A_26 = arith.constant 640 : i32
      %mul3A_27 = arith.muli %arg1, %mul3A_26 : i32
      "tpu.region"() ({
        %run_scoped3A = tpu.sem_alloc : memref<!tpu.dma_semaphore, #tpu.memory_space<semaphore_mem>>
        %dma_start3A = arith.constant 0 : i32
        %dma_start3A_29 = tpu.memref_slice %arg9[%mul3A_27, %dma_start3A] : memref<10240x128xf32, #tpu.memory_space<hbm>> -> memref<640x128xf32, #tpu.memory_space<hbm>>
        %dma_start3A_30 = arith.constant 0 : i32
        %dma_start3A_31 = tpu.memref_slice %arg13[%mul3A_25, %dma_start3A_30] : memref<10240x128xf32, #tpu.memory_space<vmem_shared>> -> memref<640x128xf32, #tpu.memory_space<vmem_shared>>
        tpu.enqueue_dma source(%dma_start3A_31 : memref<640x128xf32, #tpu.memory_space<vmem_shared>>) target(%dma_start3A_29 : memref<640x128xf32, #tpu.memory_space<hbm>>) target_semaphore(%run_scoped3A : memref<!tpu.dma_semaphore, #tpu.memory_space<semaphore_mem>>)
        %dma_wait3A = arith.constant 0 : i32
        %dma_wait3A_32 = tpu.memref_slice %arg9[%mul3A_27, %dma_wait3A] : memref<10240x128xf32, #tpu.memory_space<hbm>> -> memref<640x128xf32, #tpu.memory_space<hbm>>
        %dma_wait3A_33 = arith.constant 0 : i32
        %dma_wait3A_34 = tpu.memref_slice %arg13[%mul3A_25, %dma_wait3A_33] : memref<10240x128xf32, #tpu.memory_space<vmem_shared>> -> memref<640x128xf32, #tpu.memory_space<vmem_shared>>
        tpu.wait_dma2 semaphore(%run_scoped3A : memref<!tpu.dma_semaphore, #tpu.memory_space<semaphore_mem>>) src(%dma_wait3A_34 : memref<640x128xf32, #tpu.memory_space<vmem_shared>>) dst(%dma_wait3A_32 : memref<640x128xf32, #tpu.memory_space<hbm>>)
        tpu.yield
      }) : () -> ()
      %barrier3A_28 = arith.constant 0 : index
      tpu.barrier barrier_id(%barrier3A_28)
    } else {
    }
    %eq3A_2 = arith.constant 1 : i32
    %eq3A_3 = arith.cmpi eq, %arg0, %eq3A_2 : i32
    %convert_element_type3A_4 = arith.extui %eq3A_3 : i1 to i32
    %cond3A_5 = arith.constant 0 : i32
    %cond3A_6 = arith.cmpi ne, %convert_element_type3A_4, %cond3A_5 : i32
    scf.if %cond3A_6 {
      %mul3A = arith.constant 640 : i32
      %mul3A_17 = arith.muli %arg1, %mul3A : i32
      "tpu.region"() ({
        %run_scoped3A = tpu.sem_alloc : memref<!tpu.dma_semaphore, #tpu.memory_space<semaphore_mem>>
        %dma_start3A = arith.constant 0 : i32
        %dma_start3A_29 = tpu.memref_slice %arg13[%mul3A_17, %dma_start3A] : memref<10240x128xf32, #tpu.memory_space<vmem_shared>> -> memref<640x128xf32, #tpu.memory_space<vmem_shared>>
        tpu.enqueue_dma source(%arg4 : memref<640x128xf32, #tpu.memory_space<hbm>>) target(%dma_start3A_29 : memref<640x128xf32, #tpu.memory_space<vmem_shared>>) target_semaphore(%run_scoped3A : memref<!tpu.dma_semaphore, #tpu.memory_space<semaphore_mem>>)
        %dma_wait3A = arith.constant 0 : i32
        %dma_wait3A_30 = tpu.memref_slice %arg13[%mul3A_17, %dma_wait3A] : memref<10240x128xf32, #tpu.memory_space<vmem_shared>> -> memref<640x128xf32, #tpu.memory_space<vmem_shared>>
        tpu.wait_dma2 semaphore(%run_scoped3A : memref<!tpu.dma_semaphore, #tpu.memory_space<semaphore_mem>>) src(%arg4 : memref<640x128xf32, #tpu.memory_space<hbm>>) dst(%dma_wait3A_30 : memref<640x128xf32, #tpu.memory_space<vmem_shared>>)
        tpu.yield
      }) : () -> ()
      %barrier3A = arith.constant 0 : index
      tpu.barrier barrier_id(%barrier3A)
      %scan3A = arith.constant 0 : i32
      %scan3A_18 = arith.constant 0 : i32
      %scan3A_19 = arith.constant 80 : i32
      %scan3A_20 = arith.addi %scan3A_18, %scan3A_19 : i32
      %scan3A_21 = arith.constant 1 : i32
      scf.for %scan3A_29 = %scan3A_18 to %scan3A_20 step %scan3A_21  : i32 {
        %dma_start3A = arith.constant 0 : i32
        %dma_start3A_30 = tpu.memref_slice %arg14[%scan3A_29, %dma_start3A] : memref<80x128xi32, #tpu.memory_space<vmem>> -> memref<1x128xi32, #tpu.memory_space<vmem>>
        %dma_start3A_31 = tpu.memref_squeeze %dma_start3A_30 : memref<1x128xi32, #tpu.memory_space<vmem>> -> memref<128xi32, #tpu.memory_space<vmem>>
        %dma_start3A_32 = arith.constant 0 : i32
        %dma_start3A_33 = arith.constant 0 : i32
        %dma_start3A_34 = tpu.memref_slice %arg6[%dma_start3A_32, %dma_start3A_33] : memref<10000x128xf32, #tpu.memory_space<hbm>> -> memref<10000x128xf32, #tpu.memory_space<hbm>>
        tpu.enqueue_indirect_dma source(%dma_start3A_34 : memref<10000x128xf32, #tpu.memory_space<hbm>>) target(%arg16 : memref<128x128xf32, #tpu.memory_space<vmem>>) offsets(%dma_start3A_31 : memref<128xi32, #tpu.memory_space<vmem>>) semaphore(%arg17 : memref<!tpu.dma_semaphore, #tpu.memory_space<semaphore_mem>>)
        %dma_wait3A = arith.constant 0 : i32
        %dma_wait3A_35 = tpu.memref_slice %arg14[%scan3A_29, %dma_wait3A] : memref<80x128xi32, #tpu.memory_space<vmem>> -> memref<1x128xi32, #tpu.memory_space<vmem>>
        %dma_wait3A_36 = tpu.memref_squeeze %dma_wait3A_35 : memref<1x128xi32, #tpu.memory_space<vmem>> -> memref<128xi32, #tpu.memory_space<vmem>>
        %dma_wait3A_37 = arith.constant 0 : i32
        %dma_wait3A_38 = arith.constant 0 : i32
        %dma_wait3A_39 = tpu.memref_slice %arg6[%dma_wait3A_37, %dma_wait3A_38] : memref<10000x128xf32, #tpu.memory_space<hbm>> -> memref<10000x128xf32, #tpu.memory_space<hbm>>
        tpu.wait_indirect_dma semaphore(%arg17 : memref<!tpu.dma_semaphore, #tpu.memory_space<semaphore_mem>>) src(%dma_wait3A_39 : memref<10000x128xf32, #tpu.memory_space<hbm>>) dst(%arg16 : memref<128x128xf32, #tpu.memory_space<vmem>>)
        "tpu.region"() ({
          %run_scoped3A = tpu.sem_alloc : memref<!tpu.dma_semaphore, #tpu.memory_space<semaphore_mem>>
          %dma_start3A_40 = arith.constant 0 : i32
          %dma_start3A_41 = tpu.memref_slice %arg15[%scan3A_29, %dma_start3A_40] : memref<80x128xi32, #tpu.memory_space<vmem>> -> memref<1x128xi32, #tpu.memory_space<vmem>>
          %dma_start3A_42 = tpu.memref_squeeze %dma_start3A_41 : memref<1x128xi32, #tpu.memory_space<vmem>> -> memref<128xi32, #tpu.memory_space<vmem>>
          %dma_start3A_43 = arith.constant 0 : i32
          %dma_start3A_44 = arith.constant 0 : i32
          %dma_start3A_45 = tpu.memref_slice %arg13[%dma_start3A_43, %dma_start3A_44] : memref<10240x128xf32, #tpu.memory_space<vmem_shared>> -> memref<10240x128xf32, #tpu.memory_space<vmem_shared>>
          tpu.enqueue_indirect_dma source(%arg16 : memref<128x128xf32, #tpu.memory_space<vmem>>) target(%dma_start3A_45 : memref<10240x128xf32, #tpu.memory_space<vmem_shared>>) offsets(%dma_start3A_42 : memref<128xi32, #tpu.memory_space<vmem>>) semaphore(%run_scoped3A : memref<!tpu.dma_semaphore, #tpu.memory_space<semaphore_mem>>) {add = true}
          %dma_wait3A_46 = arith.constant 0 : i32
          %dma_wait3A_47 = tpu.memref_slice %arg15[%scan3A_29, %dma_wait3A_46] : memref<80x128xi32, #tpu.memory_space<vmem>> -> memref<1x128xi32, #tpu.memory_space<vmem>>
          %dma_wait3A_48 = tpu.memref_squeeze %dma_wait3A_47 : memref<1x128xi32, #tpu.memory_space<vmem>> -> memref<128xi32, #tpu.memory_space<vmem>>
          %dma_wait3A_49 = arith.constant 0 : i32
          %dma_wait3A_50 = arith.constant 0 : i32
          %dma_wait3A_51 = tpu.memref_slice %arg13[%dma_wait3A_49, %dma_wait3A_50] : memref<10240x128xf32, #tpu.memory_space<vmem_shared>> -> memref<10240x128xf32, #tpu.memory_space<vmem_shared>>
          tpu.wait_indirect_dma semaphore(%run_scoped3A : memref<!tpu.dma_semaphore, #tpu.memory_space<semaphore_mem>>) src(%arg16 : memref<128x128xf32, #tpu.memory_space<vmem>>) dst(%dma_wait3A_51 : memref<10240x128xf32, #tpu.memory_space<vmem_shared>>)
          tpu.yield
        }) : () -> ()
      }
      %scan3A_22 = arith.constant 80 : i32
      %barrier3A_23 = arith.constant 0 : index
      tpu.barrier barrier_id(%barrier3A_23)
      %mul3A_24 = arith.constant 640 : i32
      %mul3A_25 = arith.muli %arg1, %mul3A_24 : i32
      %mul3A_26 = arith.constant 640 : i32
      %mul3A_27 = arith.muli %arg1, %mul3A_26 : i32
      "tpu.region"() ({
        %run_scoped3A = tpu.sem_alloc : memref<!tpu.dma_semaphore, #tpu.memory_space<semaphore_mem>>
        %dma_start3A = arith.constant 0 : i32
        %dma_start3A_29 = tpu.memref_slice %arg10[%mul3A_27, %dma_start3A] : memref<10240x128xf32, #tpu.memory_space<hbm>> -> memref<640x128xf32, #tpu.memory_space<hbm>>
        %dma_start3A_30 = arith.constant 0 : i32
        %dma_start3A_31 = tpu.memref_slice %arg13[%mul3A_25, %dma_start3A_30] : memref<10240x128xf32, #tpu.memory_space<vmem_shared>> -> memref<640x128xf32, #tpu.memory_space<vmem_shared>>
        tpu.enqueue_dma source(%dma_start3A_31 : memref<640x128xf32, #tpu.memory_space<vmem_shared>>) target(%dma_start3A_29 : memref<640x128xf32, #tpu.memory_space<hbm>>) target_semaphore(%run_scoped3A : memref<!tpu.dma_semaphore, #tpu.memory_space<semaphore_mem>>)
        %dma_wait3A = arith.constant 0 : i32
        %dma_wait3A_32 = tpu.memref_slice %arg10[%mul3A_27, %dma_wait3A] : memref<10240x128xf32, #tpu.memory_space<hbm>> -> memref<640x128xf32, #tpu.memory_space<hbm>>
        %dma_wait3A_33 = arith.constant 0 : i32
        %dma_wait3A_34 = tpu.memref_slice %arg13[%mul3A_25, %dma_wait3A_33] : memref<10240x128xf32, #tpu.memory_space<vmem_shared>> -> memref<640x128xf32, #tpu.memory_space<vmem_shared>>
        tpu.wait_dma2 semaphore(%run_scoped3A : memref<!tpu.dma_semaphore, #tpu.memory_space<semaphore_mem>>) src(%dma_wait3A_34 : memref<640x128xf32, #tpu.memory_space<vmem_shared>>) dst(%dma_wait3A_32 : memref<640x128xf32, #tpu.memory_space<hbm>>)
        tpu.yield
      }) : () -> ()
      %barrier3A_28 = arith.constant 0 : index
      tpu.barrier barrier_id(%barrier3A_28)
    } else {
    }
    %eq3A_7 = arith.constant 0 : i32
    %eq3A_8 = arith.cmpi eq, %arg0, %eq3A_7 : i32
    %convert_element_type3A_9 = arith.extui %eq3A_8 : i1 to i32
    %cond3A_10 = arith.constant 0 : i32
    %cond3A_11 = arith.cmpi ne, %convert_element_type3A_9, %cond3A_10 : i32
    scf.if %cond3A_11 {
      %mul3A = arith.constant 640 : i32
      %mul3A_17 = arith.muli %arg1, %mul3A : i32
      "tpu.region"() ({
        %run_scoped3A = tpu.sem_alloc : memref<!tpu.dma_semaphore, #tpu.memory_space<semaphore_mem>>
        %dma_start3A = arith.constant 0 : i32
        %dma_start3A_29 = tpu.memref_slice %arg13[%mul3A_17, %dma_start3A] : memref<10240x128xf32, #tpu.memory_space<vmem_shared>> -> memref<640x128xf32, #tpu.memory_space<vmem_shared>>
        tpu.enqueue_dma source(%arg4 : memref<640x128xf32, #tpu.memory_space<hbm>>) target(%dma_start3A_29 : memref<640x128xf32, #tpu.memory_space<vmem_shared>>) target_semaphore(%run_scoped3A : memref<!tpu.dma_semaphore, #tpu.memory_space<semaphore_mem>>)
        %dma_wait3A = arith.constant 0 : i32
        %dma_wait3A_30 = tpu.memref_slice %arg13[%mul3A_17, %dma_wait3A] : memref<10240x128xf32, #tpu.memory_space<vmem_shared>> -> memref<640x128xf32, #tpu.memory_space<vmem_shared>>
        tpu.wait_dma2 semaphore(%run_scoped3A : memref<!tpu.dma_semaphore, #tpu.memory_space<semaphore_mem>>) src(%arg4 : memref<640x128xf32, #tpu.memory_space<hbm>>) dst(%dma_wait3A_30 : memref<640x128xf32, #tpu.memory_space<vmem_shared>>)
        tpu.yield
      }) : () -> ()
      %barrier3A = arith.constant 0 : index
      tpu.barrier barrier_id(%barrier3A)
      %scan3A = arith.constant 0 : i32
      %scan3A_18 = arith.constant 0 : i32
      %scan3A_19 = arith.constant 80 : i32
      %scan3A_20 = arith.addi %scan3A_18, %scan3A_19 : i32
      %scan3A_21 = arith.constant 1 : i32
      scf.for %scan3A_29 = %scan3A_18 to %scan3A_20 step %scan3A_21  : i32 {
        %dma_start3A = arith.constant 0 : i32
        %dma_start3A_30 = tpu.memref_slice %arg14[%scan3A_29, %dma_start3A] : memref<80x128xi32, #tpu.memory_space<vmem>> -> memref<1x128xi32, #tpu.memory_space<vmem>>
        %dma_start3A_31 = tpu.memref_squeeze %dma_start3A_30 : memref<1x128xi32, #tpu.memory_space<vmem>> -> memref<128xi32, #tpu.memory_space<vmem>>
        %dma_start3A_32 = arith.constant 0 : i32
        %dma_start3A_33 = arith.constant 0 : i32
        %dma_start3A_34 = tpu.memref_slice %arg7[%dma_start3A_32, %dma_start3A_33] : memref<10000x128xf32, #tpu.memory_space<hbm>> -> memref<10000x128xf32, #tpu.memory_space<hbm>>
        tpu.enqueue_indirect_dma source(%dma_start3A_34 : memref<10000x128xf32, #tpu.memory_space<hbm>>) target(%arg16 : memref<128x128xf32, #tpu.memory_space<vmem>>) offsets(%dma_start3A_31 : memref<128xi32, #tpu.memory_space<vmem>>) semaphore(%arg17 : memref<!tpu.dma_semaphore, #tpu.memory_space<semaphore_mem>>)
        %dma_wait3A = arith.constant 0 : i32
        %dma_wait3A_35 = tpu.memref_slice %arg14[%scan3A_29, %dma_wait3A] : memref<80x128xi32, #tpu.memory_space<vmem>> -> memref<1x128xi32, #tpu.memory_space<vmem>>
        %dma_wait3A_36 = tpu.memref_squeeze %dma_wait3A_35 : memref<1x128xi32, #tpu.memory_space<vmem>> -> memref<128xi32, #tpu.memory_space<vmem>>
        %dma_wait3A_37 = arith.constant 0 : i32
        %dma_wait3A_38 = arith.constant 0 : i32
        %dma_wait3A_39 = tpu.memref_slice %arg7[%dma_wait3A_37, %dma_wait3A_38] : memref<10000x128xf32, #tpu.memory_space<hbm>> -> memref<10000x128xf32, #tpu.memory_space<hbm>>
        tpu.wait_indirect_dma semaphore(%arg17 : memref<!tpu.dma_semaphore, #tpu.memory_space<semaphore_mem>>) src(%dma_wait3A_39 : memref<10000x128xf32, #tpu.memory_space<hbm>>) dst(%arg16 : memref<128x128xf32, #tpu.memory_space<vmem>>)
        "tpu.region"() ({
          %run_scoped3A = tpu.sem_alloc : memref<!tpu.dma_semaphore, #tpu.memory_space<semaphore_mem>>
          %dma_start3A_40 = arith.constant 0 : i32
          %dma_start3A_41 = tpu.memref_slice %arg15[%scan3A_29, %dma_start3A_40] : memref<80x128xi32, #tpu.memory_space<vmem>> -> memref<1x128xi32, #tpu.memory_space<vmem>>
          %dma_start3A_42 = tpu.memref_squeeze %dma_start3A_41 : memref<1x128xi32, #tpu.memory_space<vmem>> -> memref<128xi32, #tpu.memory_space<vmem>>
          %dma_start3A_43 = arith.constant 0 : i32
          %dma_start3A_44 = arith.constant 0 : i32
          %dma_start3A_45 = tpu.memref_slice %arg13[%dma_start3A_43, %dma_start3A_44] : memref<10240x128xf32, #tpu.memory_space<vmem_shared>> -> memref<10240x128xf32, #tpu.memory_space<vmem_shared>>
          tpu.enqueue_indirect_dma source(%arg16 : memref<128x128xf32, #tpu.memory_space<vmem>>) target(%dma_start3A_45 : memref<10240x128xf32, #tpu.memory_space<vmem_shared>>) offsets(%dma_start3A_42 : memref<128xi32, #tpu.memory_space<vmem>>) semaphore(%run_scoped3A : memref<!tpu.dma_semaphore, #tpu.memory_space<semaphore_mem>>) {add = true}
          %dma_wait3A_46 = arith.constant 0 : i32
          %dma_wait3A_47 = tpu.memref_slice %arg15[%scan3A_29, %dma_wait3A_46] : memref<80x128xi32, #tpu.memory_space<vmem>> -> memref<1x128xi32, #tpu.memory_space<vmem>>
          %dma_wait3A_48 = tpu.memref_squeeze %dma_wait3A_47 : memref<1x128xi32, #tpu.memory_space<vmem>> -> memref<128xi32, #tpu.memory_space<vmem>>
          %dma_wait3A_49 = arith.constant 0 : i32
          %dma_wait3A_50 = arith.constant 0 : i32
          %dma_wait3A_51 = tpu.memref_slice %arg13[%dma_wait3A_49, %dma_wait3A_50] : memref<10240x128xf32, #tpu.memory_space<vmem_shared>> -> memref<10240x128xf32, #tpu.memory_space<vmem_shared>>
          tpu.wait_indirect_dma semaphore(%run_scoped3A : memref<!tpu.dma_semaphore, #tpu.memory_space<semaphore_mem>>) src(%arg16 : memref<128x128xf32, #tpu.memory_space<vmem>>) dst(%dma_wait3A_51 : memref<10240x128xf32, #tpu.memory_space<vmem_shared>>)
          tpu.yield
        }) : () -> ()
      }
      %scan3A_22 = arith.constant 80 : i32
      %barrier3A_23 = arith.constant 0 : index
      tpu.barrier barrier_id(%barrier3A_23)
      %mul3A_24 = arith.constant 640 : i32
      %mul3A_25 = arith.muli %arg1, %mul3A_24 : i32
      %mul3A_26 = arith.constant 640 : i32
      %mul3A_27 = arith.muli %arg1, %mul3A_26 : i32
      "tpu.region"() ({
        %run_scoped3A = tpu.sem_alloc : memref<!tpu.dma_semaphore, #tpu.memory_space<semaphore_mem>>
        %dma_start3A = arith.constant 0 : i32
        %dma_start3A_29 = tpu.memref_slice %arg11[%mul3A_27, %dma_start3A] : memref<10240x128xf32, #tpu.memory_space<hbm>> -> memref<640x128xf32, #tpu.memory_space<hbm>>
        %dma_start3A_30 = arith.constant 0 : i32
        %dma_start3A_31 = tpu.memref_slice %arg13[%mul3A_25, %dma_start3A_30] : memref<10240x128xf32, #tpu.memory_space<vmem_shared>> -> memref<640x128xf32, #tpu.memory_space<vmem_shared>>
        tpu.enqueue_dma source(%dma_start3A_31 : memref<640x128xf32, #tpu.memory_space<vmem_shared>>) target(%dma_start3A_29 : memref<640x128xf32, #tpu.memory_space<hbm>>) target_semaphore(%run_scoped3A : memref<!tpu.dma_semaphore, #tpu.memory_space<semaphore_mem>>)
        %dma_wait3A = arith.constant 0 : i32
        %dma_wait3A_32 = tpu.memref_slice %arg11[%mul3A_27, %dma_wait3A] : memref<10240x128xf32, #tpu.memory_space<hbm>> -> memref<640x128xf32, #tpu.memory_space<hbm>>
        %dma_wait3A_33 = arith.constant 0 : i32
        %dma_wait3A_34 = tpu.memref_slice %arg13[%mul3A_25, %dma_wait3A_33] : memref<10240x128xf32, #tpu.memory_space<vmem_shared>> -> memref<640x128xf32, #tpu.memory_space<vmem_shared>>
        tpu.wait_dma2 semaphore(%run_scoped3A : memref<!tpu.dma_semaphore, #tpu.memory_space<semaphore_mem>>) src(%dma_wait3A_34 : memref<640x128xf32, #tpu.memory_space<vmem_shared>>) dst(%dma_wait3A_32 : memref<640x128xf32, #tpu.memory_space<hbm>>)
        tpu.yield
      }) : () -> ()
      %barrier3A_28 = arith.constant 0 : index
      tpu.barrier barrier_id(%barrier3A_28)
    } else {
    }
    %eq3A_12 = arith.constant 1 : i32
    %eq3A_13 = arith.cmpi eq, %arg0, %eq3A_12 : i32
    %convert_element_type3A_14 = arith.extui %eq3A_13 : i1 to i32
    %cond3A_15 = arith.constant 0 : i32
    %cond3A_16 = arith.cmpi ne, %convert_element_type3A_14, %cond3A_15 : i32
    scf.if %cond3A_16 {
      %mul3A = arith.constant 640 : i32
      %mul3A_17 = arith.muli %arg1, %mul3A : i32
      "tpu.region"() ({
        %run_scoped3A = tpu.sem_alloc : memref<!tpu.dma_semaphore, #tpu.memory_space<semaphore_mem>>
        %dma_start3A = arith.constant 0 : i32
        %dma_start3A_29 = tpu.memref_slice %arg13[%mul3A_17, %dma_start3A] : memref<10240x128xf32, #tpu.memory_space<vmem_shared>> -> memref<640x128xf32, #tpu.memory_space<vmem_shared>>
        tpu.enqueue_dma source(%arg4 : memref<640x128xf32, #tpu.memory_space<hbm>>) target(%dma_start3A_29 : memref<640x128xf32, #tpu.memory_space<vmem_shared>>) target_semaphore(%run_scoped3A : memref<!tpu.dma_semaphore, #tpu.memory_space<semaphore_mem>>)
        %dma_wait3A = arith.constant 0 : i32
        %dma_wait3A_30 = tpu.memref_slice %arg13[%mul3A_17, %dma_wait3A] : memref<10240x128xf32, #tpu.memory_space<vmem_shared>> -> memref<640x128xf32, #tpu.memory_space<vmem_shared>>
        tpu.wait_dma2 semaphore(%run_scoped3A : memref<!tpu.dma_semaphore, #tpu.memory_space<semaphore_mem>>) src(%arg4 : memref<640x128xf32, #tpu.memory_space<hbm>>) dst(%dma_wait3A_30 : memref<640x128xf32, #tpu.memory_space<vmem_shared>>)
        tpu.yield
      }) : () -> ()
      %barrier3A = arith.constant 0 : index
      tpu.barrier barrier_id(%barrier3A)
      %scan3A = arith.constant 0 : i32
      %scan3A_18 = arith.constant 0 : i32
      %scan3A_19 = arith.constant 80 : i32
      %scan3A_20 = arith.addi %scan3A_18, %scan3A_19 : i32
      %scan3A_21 = arith.constant 1 : i32
      scf.for %scan3A_29 = %scan3A_18 to %scan3A_20 step %scan3A_21  : i32 {
        %dma_start3A = arith.constant 0 : i32
        %dma_start3A_30 = tpu.memref_slice %arg14[%scan3A_29, %dma_start3A] : memref<80x128xi32, #tpu.memory_space<vmem>> -> memref<1x128xi32, #tpu.memory_space<vmem>>
        %dma_start3A_31 = tpu.memref_squeeze %dma_start3A_30 : memref<1x128xi32, #tpu.memory_space<vmem>> -> memref<128xi32, #tpu.memory_space<vmem>>
        %dma_start3A_32 = arith.constant 0 : i32
        %dma_start3A_33 = arith.constant 0 : i32
        %dma_start3A_34 = tpu.memref_slice %arg8[%dma_start3A_32, %dma_start3A_33] : memref<10000x128xf32, #tpu.memory_space<hbm>> -> memref<10000x128xf32, #tpu.memory_space<hbm>>
        tpu.enqueue_indirect_dma source(%dma_start3A_34 : memref<10000x128xf32, #tpu.memory_space<hbm>>) target(%arg16 : memref<128x128xf32, #tpu.memory_space<vmem>>) offsets(%dma_start3A_31 : memref<128xi32, #tpu.memory_space<vmem>>) semaphore(%arg17 : memref<!tpu.dma_semaphore, #tpu.memory_space<semaphore_mem>>)
        %dma_wait3A = arith.constant 0 : i32
        %dma_wait3A_35 = tpu.memref_slice %arg14[%scan3A_29, %dma_wait3A] : memref<80x128xi32, #tpu.memory_space<vmem>> -> memref<1x128xi32, #tpu.memory_space<vmem>>
        %dma_wait3A_36 = tpu.memref_squeeze %dma_wait3A_35 : memref<1x128xi32, #tpu.memory_space<vmem>> -> memref<128xi32, #tpu.memory_space<vmem>>
        %dma_wait3A_37 = arith.constant 0 : i32
        %dma_wait3A_38 = arith.constant 0 : i32
        %dma_wait3A_39 = tpu.memref_slice %arg8[%dma_wait3A_37, %dma_wait3A_38] : memref<10000x128xf32, #tpu.memory_space<hbm>> -> memref<10000x128xf32, #tpu.memory_space<hbm>>
        tpu.wait_indirect_dma semaphore(%arg17 : memref<!tpu.dma_semaphore, #tpu.memory_space<semaphore_mem>>) src(%dma_wait3A_39 : memref<10000x128xf32, #tpu.memory_space<hbm>>) dst(%arg16 : memref<128x128xf32, #tpu.memory_space<vmem>>)
        "tpu.region"() ({
          %run_scoped3A = tpu.sem_alloc : memref<!tpu.dma_semaphore, #tpu.memory_space<semaphore_mem>>
          %dma_start3A_40 = arith.constant 0 : i32
          %dma_start3A_41 = tpu.memref_slice %arg15[%scan3A_29, %dma_start3A_40] : memref<80x128xi32, #tpu.memory_space<vmem>> -> memref<1x128xi32, #tpu.memory_space<vmem>>
          %dma_start3A_42 = tpu.memref_squeeze %dma_start3A_41 : memref<1x128xi32, #tpu.memory_space<vmem>> -> memref<128xi32, #tpu.memory_space<vmem>>
          %dma_start3A_43 = arith.constant 0 : i32
          %dma_start3A_44 = arith.constant 0 : i32
          %dma_start3A_45 = tpu.memref_slice %arg13[%dma_start3A_43, %dma_start3A_44] : memref<10240x128xf32, #tpu.memory_space<vmem_shared>> -> memref<10240x128xf32, #tpu.memory_space<vmem_shared>>
          tpu.enqueue_indirect_dma source(%arg16 : memref<128x128xf32, #tpu.memory_space<vmem>>) target(%dma_start3A_45 : memref<10240x128xf32, #tpu.memory_space<vmem_shared>>) offsets(%dma_start3A_42 : memref<128xi32, #tpu.memory_space<vmem>>) semaphore(%run_scoped3A : memref<!tpu.dma_semaphore, #tpu.memory_space<semaphore_mem>>) {add = true}
          %dma_wait3A_46 = arith.constant 0 : i32
          %dma_wait3A_47 = tpu.memref_slice %arg15[%scan3A_29, %dma_wait3A_46] : memref<80x128xi32, #tpu.memory_space<vmem>> -> memref<1x128xi32, #tpu.memory_space<vmem>>
          %dma_wait3A_48 = tpu.memref_squeeze %dma_wait3A_47 : memref<1x128xi32, #tpu.memory_space<vmem>> -> memref<128xi32, #tpu.memory_space<vmem>>
          %dma_wait3A_49 = arith.constant 0 : i32
          %dma_wait3A_50 = arith.constant 0 : i32
          %dma_wait3A_51 = tpu.memref_slice %arg13[%dma_wait3A_49, %dma_wait3A_50] : memref<10240x128xf32, #tpu.memory_space<vmem_shared>> -> memref<10240x128xf32, #tpu.memory_space<vmem_shared>>
          tpu.wait_indirect_dma semaphore(%run_scoped3A : memref<!tpu.dma_semaphore, #tpu.memory_space<semaphore_mem>>) src(%arg16 : memref<128x128xf32, #tpu.memory_space<vmem>>) dst(%dma_wait3A_51 : memref<10240x128xf32, #tpu.memory_space<vmem_shared>>)
          tpu.yield
        }) : () -> ()
      }
      %scan3A_22 = arith.constant 80 : i32
      %barrier3A_23 = arith.constant 0 : index
      tpu.barrier barrier_id(%barrier3A_23)
      %mul3A_24 = arith.constant 640 : i32
      %mul3A_25 = arith.muli %arg1, %mul3A_24 : i32
      %mul3A_26 = arith.constant 640 : i32
      %mul3A_27 = arith.muli %arg1, %mul3A_26 : i32
      "tpu.region"() ({
        %run_scoped3A = tpu.sem_alloc : memref<!tpu.dma_semaphore, #tpu.memory_space<semaphore_mem>>
        %dma_start3A = arith.constant 0 : i32
        %dma_start3A_29 = tpu.memref_slice %arg12[%mul3A_27, %dma_start3A] : memref<10240x128xf32, #tpu.memory_space<hbm>> -> memref<640x128xf32, #tpu.memory_space<hbm>>
        %dma_start3A_30 = arith.constant 0 : i32
        %dma_start3A_31 = tpu.memref_slice %arg13[%mul3A_25, %dma_start3A_30] : memref<10240x128xf32, #tpu.memory_space<vmem_shared>> -> memref<640x128xf32, #tpu.memory_space<vmem_shared>>
        tpu.enqueue_dma source(%dma_start3A_31 : memref<640x128xf32, #tpu.memory_space<vmem_shared>>) target(%dma_start3A_29 : memref<640x128xf32, #tpu.memory_space<hbm>>) target_semaphore(%run_scoped3A : memref<!tpu.dma_semaphore, #tpu.memory_space<semaphore_mem>>)
        %dma_wait3A = arith.constant 0 : i32
        %dma_wait3A_32 = tpu.memref_slice %arg12[%mul3A_27, %dma_wait3A] : memref<10240x128xf32, #tpu.memory_space<hbm>> -> memref<640x128xf32, #tpu.memory_space<hbm>>
        %dma_wait3A_33 = arith.constant 0 : i32
        %dma_wait3A_34 = tpu.memref_slice %arg13[%mul3A_25, %dma_wait3A_33] : memref<10240x128xf32, #tpu.memory_space<vmem_shared>> -> memref<640x128xf32, #tpu.memory_space<vmem_shared>>
        tpu.wait_dma2 semaphore(%run_scoped3A : memref<!tpu.dma_semaphore, #tpu.memory_space<semaphore_mem>>) src(%dma_wait3A_34 : memref<640x128xf32, #tpu.memory_space<vmem_shared>>) dst(%dma_wait3A_32 : memref<640x128xf32, #tpu.memory_space<hbm>>)
        tpu.yield
      }) : () -> ()
      %barrier3A_28 = arith.constant 0 : index
      tpu.barrier barrier_id(%barrier3A_28)
    } else {
    }
    return
  }
}

#map = affine_map<(d0, d1) -> (0, 0, 0)>
#map1 = affine_map<(d0, d1) -> (0, 0)>
module attributes {stable_mosaic.version = 14 : i64} {
  func.func @spmm_kernel(%arg0: i32, %arg1: i32, %arg2: memref<16x80x128xi32, #tpu.memory_space<hbm>>, %arg3: memref<16x80x128xi32, #tpu.memory_space<hbm>>, %arg4: memref<640x128xf32, #tpu.memory_space<hbm>>, %arg5: memref<10000x128xf32, #tpu.memory_space<hbm>>, %arg6: memref<10000x128xf32, #tpu.memory_space<hbm>>, %arg7: memref<10240x128xf32, #tpu.memory_space<hbm>>, %arg8: memref<10240x128xf32, #tpu.memory_space<hbm>>, %arg9: memref<10240x128xf32, #tpu.memory_space<vmem_shared>>, %arg10: memref<80x128xi32, #tpu.memory_space<vmem>>, %arg11: memref<80x128xi32, #tpu.memory_space<vmem>>, %arg12: memref<128x128xf32, #tpu.memory_space<vmem>>, %arg13: memref<!tpu.dma_semaphore, #tpu.memory_space<semaphore_mem>>) attributes {dimension_semantics = [#tpu.dimension_semantics<core_parallel>, #tpu.dimension_semantics<subcore_parallel>], iteration_bounds = array<i64: 2, 16>, scalar_prefetch = 0 : i64, scratch_operands = 5 : i64, tpu.core_type = #tpu.core_type<sc_vector_subcore>, window_params = [{transform_indices = #map}, {transform_indices = #map}, {transform_indices = #map1}, {transform_indices = #map1}, {transform_indices = #map1}, {transform_indices = #map1}, {transform_indices = #map1}]} {
    "tpu.region"() ({
      %run_scoped3A = tpu.sem_alloc : memref<!tpu.dma_semaphore, #tpu.memory_space<semaphore_mem>>
      %dma_start3A = arith.constant 0 : i32
      %dma_start3A_7 = arith.constant 0 : i32
      %dma_start3A_8 = tpu.memref_slice %arg2[%arg1, %dma_start3A, %dma_start3A_7] : memref<16x80x128xi32, #tpu.memory_space<hbm>> -> memref<1x80x128xi32, #tpu.memory_space<hbm>>
      %dma_start3A_9 = tpu.memref_squeeze %dma_start3A_8 : memref<1x80x128xi32, #tpu.memory_space<hbm>> -> memref<80x128xi32, #tpu.memory_space<hbm>>
      %dma_start3A_10 = arith.constant 0 : i32
      %dma_start3A_11 = arith.constant 0 : i32
      %dma_start3A_12 = tpu.memref_slice %arg2[%arg1, %dma_start3A_10, %dma_start3A_11] : memref<16x80x128xi32, #tpu.memory_space<hbm>> -> memref<1x80x128xi32, #tpu.memory_space<hbm>>
      %dma_start3A_13 = tpu.memref_squeeze %dma_start3A_12 : memref<1x80x128xi32, #tpu.memory_space<hbm>> -> memref<80x128xi32, #tpu.memory_space<hbm>>
      tpu.enqueue_dma source(%dma_start3A_13 : memref<80x128xi32, #tpu.memory_space<hbm>>) target(%arg10 : memref<80x128xi32, #tpu.memory_space<vmem>>) target_semaphore(%run_scoped3A : memref<!tpu.dma_semaphore, #tpu.memory_space<semaphore_mem>>)
      %dma_wait3A = arith.constant 0 : i32
      %dma_wait3A_14 = arith.constant 0 : i32
      %dma_wait3A_15 = tpu.memref_slice %arg2[%arg1, %dma_wait3A, %dma_wait3A_14] : memref<16x80x128xi32, #tpu.memory_space<hbm>> -> memref<1x80x128xi32, #tpu.memory_space<hbm>>
      %dma_wait3A_16 = tpu.memref_squeeze %dma_wait3A_15 : memref<1x80x128xi32, #tpu.memory_space<hbm>> -> memref<80x128xi32, #tpu.memory_space<hbm>>
      %dma_wait3A_17 = arith.constant 0 : i32
      %dma_wait3A_18 = arith.constant 0 : i32
      %dma_wait3A_19 = tpu.memref_slice %arg2[%arg1, %dma_wait3A_17, %dma_wait3A_18] : memref<16x80x128xi32, #tpu.memory_space<hbm>> -> memref<1x80x128xi32, #tpu.memory_space<hbm>>
      %dma_wait3A_20 = tpu.memref_squeeze %dma_wait3A_19 : memref<1x80x128xi32, #tpu.memory_space<hbm>> -> memref<80x128xi32, #tpu.memory_space<hbm>>
      tpu.wait_dma2 semaphore(%run_scoped3A : memref<!tpu.dma_semaphore, #tpu.memory_space<semaphore_mem>>) src(%dma_wait3A_20 : memref<80x128xi32, #tpu.memory_space<hbm>>) dst(%arg10 : memref<80x128xi32, #tpu.memory_space<vmem>>)
      tpu.yield
    }) : () -> ()
    "tpu.region"() ({
      %run_scoped3A = tpu.sem_alloc : memref<!tpu.dma_semaphore, #tpu.memory_space<semaphore_mem>>
      %dma_start3A = arith.constant 0 : i32
      %dma_start3A_7 = arith.constant 0 : i32
      %dma_start3A_8 = tpu.memref_slice %arg3[%arg1, %dma_start3A, %dma_start3A_7] : memref<16x80x128xi32, #tpu.memory_space<hbm>> -> memref<1x80x128xi32, #tpu.memory_space<hbm>>
      %dma_start3A_9 = tpu.memref_squeeze %dma_start3A_8 : memref<1x80x128xi32, #tpu.memory_space<hbm>> -> memref<80x128xi32, #tpu.memory_space<hbm>>
      %dma_start3A_10 = arith.constant 0 : i32
      %dma_start3A_11 = arith.constant 0 : i32
      %dma_start3A_12 = tpu.memref_slice %arg3[%arg1, %dma_start3A_10, %dma_start3A_11] : memref<16x80x128xi32, #tpu.memory_space<hbm>> -> memref<1x80x128xi32, #tpu.memory_space<hbm>>
      %dma_start3A_13 = tpu.memref_squeeze %dma_start3A_12 : memref<1x80x128xi32, #tpu.memory_space<hbm>> -> memref<80x128xi32, #tpu.memory_space<hbm>>
      tpu.enqueue_dma source(%dma_start3A_13 : memref<80x128xi32, #tpu.memory_space<hbm>>) target(%arg11 : memref<80x128xi32, #tpu.memory_space<vmem>>) target_semaphore(%run_scoped3A : memref<!tpu.dma_semaphore, #tpu.memory_space<semaphore_mem>>)
      %dma_wait3A = arith.constant 0 : i32
      %dma_wait3A_14 = arith.constant 0 : i32
      %dma_wait3A_15 = tpu.memref_slice %arg3[%arg1, %dma_wait3A, %dma_wait3A_14] : memref<16x80x128xi32, #tpu.memory_space<hbm>> -> memref<1x80x128xi32, #tpu.memory_space<hbm>>
      %dma_wait3A_16 = tpu.memref_squeeze %dma_wait3A_15 : memref<1x80x128xi32, #tpu.memory_space<hbm>> -> memref<80x128xi32, #tpu.memory_space<hbm>>
      %dma_wait3A_17 = arith.constant 0 : i32
      %dma_wait3A_18 = arith.constant 0 : i32
      %dma_wait3A_19 = tpu.memref_slice %arg3[%arg1, %dma_wait3A_17, %dma_wait3A_18] : memref<16x80x128xi32, #tpu.memory_space<hbm>> -> memref<1x80x128xi32, #tpu.memory_space<hbm>>
      %dma_wait3A_20 = tpu.memref_squeeze %dma_wait3A_19 : memref<1x80x128xi32, #tpu.memory_space<hbm>> -> memref<80x128xi32, #tpu.memory_space<hbm>>
      tpu.wait_dma2 semaphore(%run_scoped3A : memref<!tpu.dma_semaphore, #tpu.memory_space<semaphore_mem>>) src(%dma_wait3A_20 : memref<80x128xi32, #tpu.memory_space<hbm>>) dst(%arg11 : memref<80x128xi32, #tpu.memory_space<vmem>>)
      tpu.yield
    }) : () -> ()
    %eq3A = arith.constant 0 : i32
    %eq3A_0 = arith.cmpi eq, %arg0, %eq3A : i32
    %convert_element_type3A = arith.extui %eq3A_0 : i1 to i32
    %cond3A = arith.constant 0 : i32
    %cond3A_1 = arith.cmpi ne, %convert_element_type3A, %cond3A : i32
    scf.if %cond3A_1 {
      %mul3A = arith.constant 640 : i32
      %mul3A_7 = arith.muli %arg1, %mul3A : i32
      "tpu.region"() ({
        %run_scoped3A = tpu.sem_alloc : memref<!tpu.dma_semaphore, #tpu.memory_space<semaphore_mem>>
        %dma_start3A = arith.constant 0 : i32
        %dma_start3A_19 = tpu.memref_slice %arg9[%mul3A_7, %dma_start3A] : memref<10240x128xf32, #tpu.memory_space<vmem_shared>> -> memref<640x128xf32, #tpu.memory_space<vmem_shared>>
        tpu.enqueue_dma source(%arg4 : memref<640x128xf32, #tpu.memory_space<hbm>>) target(%dma_start3A_19 : memref<640x128xf32, #tpu.memory_space<vmem_shared>>) target_semaphore(%run_scoped3A : memref<!tpu.dma_semaphore, #tpu.memory_space<semaphore_mem>>)
        %dma_wait3A = arith.constant 0 : i32
        %dma_wait3A_20 = tpu.memref_slice %arg9[%mul3A_7, %dma_wait3A] : memref<10240x128xf32, #tpu.memory_space<vmem_shared>> -> memref<640x128xf32, #tpu.memory_space<vmem_shared>>
        tpu.wait_dma2 semaphore(%run_scoped3A : memref<!tpu.dma_semaphore, #tpu.memory_space<semaphore_mem>>) src(%arg4 : memref<640x128xf32, #tpu.memory_space<hbm>>) dst(%dma_wait3A_20 : memref<640x128xf32, #tpu.memory_space<vmem_shared>>)
        tpu.yield
      }) : () -> ()
      %barrier3A = arith.constant 0 : index
      tpu.barrier barrier_id(%barrier3A)
      %scan3A = arith.constant 0 : i32
      %scan3A_8 = arith.constant 0 : i32
      %scan3A_9 = arith.constant 80 : i32
      %scan3A_10 = arith.addi %scan3A_8, %scan3A_9 : i32
      %scan3A_11 = arith.constant 1 : i32
      scf.for %scan3A_19 = %scan3A_8 to %scan3A_10 step %scan3A_11  : i32 {
        %dma_start3A = arith.constant 0 : i32
        %dma_start3A_20 = tpu.memref_slice %arg10[%scan3A_19, %dma_start3A] : memref<80x128xi32, #tpu.memory_space<vmem>> -> memref<1x128xi32, #tpu.memory_space<vmem>>
        %dma_start3A_21 = tpu.memref_squeeze %dma_start3A_20 : memref<1x128xi32, #tpu.memory_space<vmem>> -> memref<128xi32, #tpu.memory_space<vmem>>
        %dma_start3A_22 = arith.constant 0 : i32
        %dma_start3A_23 = arith.constant 0 : i32
        %dma_start3A_24 = tpu.memref_slice %arg5[%dma_start3A_22, %dma_start3A_23] : memref<10000x128xf32, #tpu.memory_space<hbm>> -> memref<10000x128xf32, #tpu.memory_space<hbm>>
        tpu.enqueue_indirect_dma source(%dma_start3A_24 : memref<10000x128xf32, #tpu.memory_space<hbm>>) target(%arg12 : memref<128x128xf32, #tpu.memory_space<vmem>>) offsets(%dma_start3A_21 : memref<128xi32, #tpu.memory_space<vmem>>) semaphore(%arg13 : memref<!tpu.dma_semaphore, #tpu.memory_space<semaphore_mem>>)
        %dma_wait3A = arith.constant 0 : i32
        %dma_wait3A_25 = tpu.memref_slice %arg10[%scan3A_19, %dma_wait3A] : memref<80x128xi32, #tpu.memory_space<vmem>> -> memref<1x128xi32, #tpu.memory_space<vmem>>
        %dma_wait3A_26 = tpu.memref_squeeze %dma_wait3A_25 : memref<1x128xi32, #tpu.memory_space<vmem>> -> memref<128xi32, #tpu.memory_space<vmem>>
        %dma_wait3A_27 = arith.constant 0 : i32
        %dma_wait3A_28 = arith.constant 0 : i32
        %dma_wait3A_29 = tpu.memref_slice %arg5[%dma_wait3A_27, %dma_wait3A_28] : memref<10000x128xf32, #tpu.memory_space<hbm>> -> memref<10000x128xf32, #tpu.memory_space<hbm>>
        tpu.wait_indirect_dma semaphore(%arg13 : memref<!tpu.dma_semaphore, #tpu.memory_space<semaphore_mem>>) src(%dma_wait3A_29 : memref<10000x128xf32, #tpu.memory_space<hbm>>) dst(%arg12 : memref<128x128xf32, #tpu.memory_space<vmem>>)
        "tpu.region"() ({
          %run_scoped3A = tpu.sem_alloc : memref<!tpu.dma_semaphore, #tpu.memory_space<semaphore_mem>>
          %dma_start3A_30 = arith.constant 0 : i32
          %dma_start3A_31 = tpu.memref_slice %arg11[%scan3A_19, %dma_start3A_30] : memref<80x128xi32, #tpu.memory_space<vmem>> -> memref<1x128xi32, #tpu.memory_space<vmem>>
          %dma_start3A_32 = tpu.memref_squeeze %dma_start3A_31 : memref<1x128xi32, #tpu.memory_space<vmem>> -> memref<128xi32, #tpu.memory_space<vmem>>
          %dma_start3A_33 = arith.constant 0 : i32
          %dma_start3A_34 = arith.constant 0 : i32
          %dma_start3A_35 = tpu.memref_slice %arg9[%dma_start3A_33, %dma_start3A_34] : memref<10240x128xf32, #tpu.memory_space<vmem_shared>> -> memref<10240x128xf32, #tpu.memory_space<vmem_shared>>
          tpu.enqueue_indirect_dma source(%arg12 : memref<128x128xf32, #tpu.memory_space<vmem>>) target(%dma_start3A_35 : memref<10240x128xf32, #tpu.memory_space<vmem_shared>>) offsets(%dma_start3A_32 : memref<128xi32, #tpu.memory_space<vmem>>) semaphore(%run_scoped3A : memref<!tpu.dma_semaphore, #tpu.memory_space<semaphore_mem>>) {add = true}
          %dma_wait3A_36 = arith.constant 0 : i32
          %dma_wait3A_37 = tpu.memref_slice %arg11[%scan3A_19, %dma_wait3A_36] : memref<80x128xi32, #tpu.memory_space<vmem>> -> memref<1x128xi32, #tpu.memory_space<vmem>>
          %dma_wait3A_38 = tpu.memref_squeeze %dma_wait3A_37 : memref<1x128xi32, #tpu.memory_space<vmem>> -> memref<128xi32, #tpu.memory_space<vmem>>
          %dma_wait3A_39 = arith.constant 0 : i32
          %dma_wait3A_40 = arith.constant 0 : i32
          %dma_wait3A_41 = tpu.memref_slice %arg9[%dma_wait3A_39, %dma_wait3A_40] : memref<10240x128xf32, #tpu.memory_space<vmem_shared>> -> memref<10240x128xf32, #tpu.memory_space<vmem_shared>>
          tpu.wait_indirect_dma semaphore(%run_scoped3A : memref<!tpu.dma_semaphore, #tpu.memory_space<semaphore_mem>>) src(%arg12 : memref<128x128xf32, #tpu.memory_space<vmem>>) dst(%dma_wait3A_41 : memref<10240x128xf32, #tpu.memory_space<vmem_shared>>)
          tpu.yield
        }) : () -> ()
      }
      %scan3A_12 = arith.constant 80 : i32
      %barrier3A_13 = arith.constant 0 : index
      tpu.barrier barrier_id(%barrier3A_13)
      %mul3A_14 = arith.constant 640 : i32
      %mul3A_15 = arith.muli %arg1, %mul3A_14 : i32
      %mul3A_16 = arith.constant 640 : i32
      %mul3A_17 = arith.muli %arg1, %mul3A_16 : i32
      "tpu.region"() ({
        %run_scoped3A = tpu.sem_alloc : memref<!tpu.dma_semaphore, #tpu.memory_space<semaphore_mem>>
        %dma_start3A = arith.constant 0 : i32
        %dma_start3A_19 = tpu.memref_slice %arg7[%mul3A_17, %dma_start3A] : memref<10240x128xf32, #tpu.memory_space<hbm>> -> memref<640x128xf32, #tpu.memory_space<hbm>>
        %dma_start3A_20 = arith.constant 0 : i32
        %dma_start3A_21 = tpu.memref_slice %arg9[%mul3A_15, %dma_start3A_20] : memref<10240x128xf32, #tpu.memory_space<vmem_shared>> -> memref<640x128xf32, #tpu.memory_space<vmem_shared>>
        tpu.enqueue_dma source(%dma_start3A_21 : memref<640x128xf32, #tpu.memory_space<vmem_shared>>) target(%dma_start3A_19 : memref<640x128xf32, #tpu.memory_space<hbm>>) target_semaphore(%run_scoped3A : memref<!tpu.dma_semaphore, #tpu.memory_space<semaphore_mem>>)
        %dma_wait3A = arith.constant 0 : i32
        %dma_wait3A_22 = tpu.memref_slice %arg7[%mul3A_17, %dma_wait3A] : memref<10240x128xf32, #tpu.memory_space<hbm>> -> memref<640x128xf32, #tpu.memory_space<hbm>>
        %dma_wait3A_23 = arith.constant 0 : i32
        %dma_wait3A_24 = tpu.memref_slice %arg9[%mul3A_15, %dma_wait3A_23] : memref<10240x128xf32, #tpu.memory_space<vmem_shared>> -> memref<640x128xf32, #tpu.memory_space<vmem_shared>>
        tpu.wait_dma2 semaphore(%run_scoped3A : memref<!tpu.dma_semaphore, #tpu.memory_space<semaphore_mem>>) src(%dma_wait3A_24 : memref<640x128xf32, #tpu.memory_space<vmem_shared>>) dst(%dma_wait3A_22 : memref<640x128xf32, #tpu.memory_space<hbm>>)
        tpu.yield
      }) : () -> ()
      %barrier3A_18 = arith.constant 0 : index
      tpu.barrier barrier_id(%barrier3A_18)
    } else {
    }
    %eq3A_2 = arith.constant 1 : i32
    %eq3A_3 = arith.cmpi eq, %arg0, %eq3A_2 : i32
    %convert_element_type3A_4 = arith.extui %eq3A_3 : i1 to i32
    %cond3A_5 = arith.constant 0 : i32
    %cond3A_6 = arith.cmpi ne, %convert_element_type3A_4, %cond3A_5 : i32
    scf.if %cond3A_6 {
      %mul3A = arith.constant 640 : i32
      %mul3A_7 = arith.muli %arg1, %mul3A : i32
      "tpu.region"() ({
        %run_scoped3A = tpu.sem_alloc : memref<!tpu.dma_semaphore, #tpu.memory_space<semaphore_mem>>
        %dma_start3A = arith.constant 0 : i32
        %dma_start3A_19 = tpu.memref_slice %arg9[%mul3A_7, %dma_start3A] : memref<10240x128xf32, #tpu.memory_space<vmem_shared>> -> memref<640x128xf32, #tpu.memory_space<vmem_shared>>
        tpu.enqueue_dma source(%arg4 : memref<640x128xf32, #tpu.memory_space<hbm>>) target(%dma_start3A_19 : memref<640x128xf32, #tpu.memory_space<vmem_shared>>) target_semaphore(%run_scoped3A : memref<!tpu.dma_semaphore, #tpu.memory_space<semaphore_mem>>)
        %dma_wait3A = arith.constant 0 : i32
        %dma_wait3A_20 = tpu.memref_slice %arg9[%mul3A_7, %dma_wait3A] : memref<10240x128xf32, #tpu.memory_space<vmem_shared>> -> memref<640x128xf32, #tpu.memory_space<vmem_shared>>
        tpu.wait_dma2 semaphore(%run_scoped3A : memref<!tpu.dma_semaphore, #tpu.memory_space<semaphore_mem>>) src(%arg4 : memref<640x128xf32, #tpu.memory_space<hbm>>) dst(%dma_wait3A_20 : memref<640x128xf32, #tpu.memory_space<vmem_shared>>)
        tpu.yield
      }) : () -> ()
      %barrier3A = arith.constant 0 : index
      tpu.barrier barrier_id(%barrier3A)
      %scan3A = arith.constant 0 : i32
      %scan3A_8 = arith.constant 0 : i32
      %scan3A_9 = arith.constant 80 : i32
      %scan3A_10 = arith.addi %scan3A_8, %scan3A_9 : i32
      %scan3A_11 = arith.constant 1 : i32
      scf.for %scan3A_19 = %scan3A_8 to %scan3A_10 step %scan3A_11  : i32 {
        %dma_start3A = arith.constant 0 : i32
        %dma_start3A_20 = tpu.memref_slice %arg10[%scan3A_19, %dma_start3A] : memref<80x128xi32, #tpu.memory_space<vmem>> -> memref<1x128xi32, #tpu.memory_space<vmem>>
        %dma_start3A_21 = tpu.memref_squeeze %dma_start3A_20 : memref<1x128xi32, #tpu.memory_space<vmem>> -> memref<128xi32, #tpu.memory_space<vmem>>
        %dma_start3A_22 = arith.constant 0 : i32
        %dma_start3A_23 = arith.constant 0 : i32
        %dma_start3A_24 = tpu.memref_slice %arg6[%dma_start3A_22, %dma_start3A_23] : memref<10000x128xf32, #tpu.memory_space<hbm>> -> memref<10000x128xf32, #tpu.memory_space<hbm>>
        tpu.enqueue_indirect_dma source(%dma_start3A_24 : memref<10000x128xf32, #tpu.memory_space<hbm>>) target(%arg12 : memref<128x128xf32, #tpu.memory_space<vmem>>) offsets(%dma_start3A_21 : memref<128xi32, #tpu.memory_space<vmem>>) semaphore(%arg13 : memref<!tpu.dma_semaphore, #tpu.memory_space<semaphore_mem>>)
        %dma_wait3A = arith.constant 0 : i32
        %dma_wait3A_25 = tpu.memref_slice %arg10[%scan3A_19, %dma_wait3A] : memref<80x128xi32, #tpu.memory_space<vmem>> -> memref<1x128xi32, #tpu.memory_space<vmem>>
        %dma_wait3A_26 = tpu.memref_squeeze %dma_wait3A_25 : memref<1x128xi32, #tpu.memory_space<vmem>> -> memref<128xi32, #tpu.memory_space<vmem>>
        %dma_wait3A_27 = arith.constant 0 : i32
        %dma_wait3A_28 = arith.constant 0 : i32
        %dma_wait3A_29 = tpu.memref_slice %arg6[%dma_wait3A_27, %dma_wait3A_28] : memref<10000x128xf32, #tpu.memory_space<hbm>> -> memref<10000x128xf32, #tpu.memory_space<hbm>>
        tpu.wait_indirect_dma semaphore(%arg13 : memref<!tpu.dma_semaphore, #tpu.memory_space<semaphore_mem>>) src(%dma_wait3A_29 : memref<10000x128xf32, #tpu.memory_space<hbm>>) dst(%arg12 : memref<128x128xf32, #tpu.memory_space<vmem>>)
        "tpu.region"() ({
          %run_scoped3A = tpu.sem_alloc : memref<!tpu.dma_semaphore, #tpu.memory_space<semaphore_mem>>
          %dma_start3A_30 = arith.constant 0 : i32
          %dma_start3A_31 = tpu.memref_slice %arg11[%scan3A_19, %dma_start3A_30] : memref<80x128xi32, #tpu.memory_space<vmem>> -> memref<1x128xi32, #tpu.memory_space<vmem>>
          %dma_start3A_32 = tpu.memref_squeeze %dma_start3A_31 : memref<1x128xi32, #tpu.memory_space<vmem>> -> memref<128xi32, #tpu.memory_space<vmem>>
          %dma_start3A_33 = arith.constant 0 : i32
          %dma_start3A_34 = arith.constant 0 : i32
          %dma_start3A_35 = tpu.memref_slice %arg9[%dma_start3A_33, %dma_start3A_34] : memref<10240x128xf32, #tpu.memory_space<vmem_shared>> -> memref<10240x128xf32, #tpu.memory_space<vmem_shared>>
          tpu.enqueue_indirect_dma source(%arg12 : memref<128x128xf32, #tpu.memory_space<vmem>>) target(%dma_start3A_35 : memref<10240x128xf32, #tpu.memory_space<vmem_shared>>) offsets(%dma_start3A_32 : memref<128xi32, #tpu.memory_space<vmem>>) semaphore(%run_scoped3A : memref<!tpu.dma_semaphore, #tpu.memory_space<semaphore_mem>>) {add = true}
          %dma_wait3A_36 = arith.constant 0 : i32
          %dma_wait3A_37 = tpu.memref_slice %arg11[%scan3A_19, %dma_wait3A_36] : memref<80x128xi32, #tpu.memory_space<vmem>> -> memref<1x128xi32, #tpu.memory_space<vmem>>
          %dma_wait3A_38 = tpu.memref_squeeze %dma_wait3A_37 : memref<1x128xi32, #tpu.memory_space<vmem>> -> memref<128xi32, #tpu.memory_space<vmem>>
          %dma_wait3A_39 = arith.constant 0 : i32
          %dma_wait3A_40 = arith.constant 0 : i32
          %dma_wait3A_41 = tpu.memref_slice %arg9[%dma_wait3A_39, %dma_wait3A_40] : memref<10240x128xf32, #tpu.memory_space<vmem_shared>> -> memref<10240x128xf32, #tpu.memory_space<vmem_shared>>
          tpu.wait_indirect_dma semaphore(%run_scoped3A : memref<!tpu.dma_semaphore, #tpu.memory_space<semaphore_mem>>) src(%arg12 : memref<128x128xf32, #tpu.memory_space<vmem>>) dst(%dma_wait3A_41 : memref<10240x128xf32, #tpu.memory_space<vmem_shared>>)
          tpu.yield
        }) : () -> ()
      }
      %scan3A_12 = arith.constant 80 : i32
      %barrier3A_13 = arith.constant 0 : index
      tpu.barrier barrier_id(%barrier3A_13)
      %mul3A_14 = arith.constant 640 : i32
      %mul3A_15 = arith.muli %arg1, %mul3A_14 : i32
      %mul3A_16 = arith.constant 640 : i32
      %mul3A_17 = arith.muli %arg1, %mul3A_16 : i32
      "tpu.region"() ({
        %run_scoped3A = tpu.sem_alloc : memref<!tpu.dma_semaphore, #tpu.memory_space<semaphore_mem>>
        %dma_start3A = arith.constant 0 : i32
        %dma_start3A_19 = tpu.memref_slice %arg8[%mul3A_17, %dma_start3A] : memref<10240x128xf32, #tpu.memory_space<hbm>> -> memref<640x128xf32, #tpu.memory_space<hbm>>
        %dma_start3A_20 = arith.constant 0 : i32
        %dma_start3A_21 = tpu.memref_slice %arg9[%mul3A_15, %dma_start3A_20] : memref<10240x128xf32, #tpu.memory_space<vmem_shared>> -> memref<640x128xf32, #tpu.memory_space<vmem_shared>>
        tpu.enqueue_dma source(%dma_start3A_21 : memref<640x128xf32, #tpu.memory_space<vmem_shared>>) target(%dma_start3A_19 : memref<640x128xf32, #tpu.memory_space<hbm>>) target_semaphore(%run_scoped3A : memref<!tpu.dma_semaphore, #tpu.memory_space<semaphore_mem>>)
        %dma_wait3A = arith.constant 0 : i32
        %dma_wait3A_22 = tpu.memref_slice %arg8[%mul3A_17, %dma_wait3A] : memref<10240x128xf32, #tpu.memory_space<hbm>> -> memref<640x128xf32, #tpu.memory_space<hbm>>
        %dma_wait3A_23 = arith.constant 0 : i32
        %dma_wait3A_24 = tpu.memref_slice %arg9[%mul3A_15, %dma_wait3A_23] : memref<10240x128xf32, #tpu.memory_space<vmem_shared>> -> memref<640x128xf32, #tpu.memory_space<vmem_shared>>
        tpu.wait_dma2 semaphore(%run_scoped3A : memref<!tpu.dma_semaphore, #tpu.memory_space<semaphore_mem>>) src(%dma_wait3A_24 : memref<640x128xf32, #tpu.memory_space<vmem_shared>>) dst(%dma_wait3A_22 : memref<640x128xf32, #tpu.memory_space<hbm>>)
        tpu.yield
      }) : () -> ()
      %barrier3A_18 = arith.constant 0 : index
      tpu.barrier barrier_id(%barrier3A_18)
    } else {
    }
    return
  }
}

module attributes {stable_mosaic.version = 14 : i64} {
  func.func @body(%arg0: memref<10000x256xf32, #tpu.memory_space<vmem>>, %arg1: memref<256x256xf32, #tpu.memory_space<vmem>>, %arg2: memref<256x256xf32, #tpu.memory_space<vmem>>, %arg3: memref<10240x128xf32, #tpu.memory_space<vmem>>, %arg4: memref<10240x128xf32, #tpu.memory_space<vmem>>, %arg5: memref<10000x128xf32, #tpu.memory_space<vmem>>, %arg6: memref<10000x128xf32, #tpu.memory_space<vmem>>, %arg7: memref<10000x128xf32, #tpu.memory_space<vmem>>, %arg8: memref<10000x128xf32, #tpu.memory_space<vmem>>) attributes {dimension_semantics = [], scalar_prefetch = 0 : i64, scratch_operands = 0 : i64, tpu.core_type = #tpu.core_type<tc>} {
    %get3A = arith.constant 0 : index
    %get3A_0 = arith.constant 0 : index
    %get3A_1 = vector.load %arg3[%get3A, %get3A_0] : memref<10240x128xf32, #tpu.memory_space<vmem>>, vector<10000x1xf32>
    %get3A_2 = arith.constant 0 : index
    %get3A_3 = arith.constant 0 : index
    %get3A_4 = vector.load %arg4[%get3A_2, %get3A_3] : memref<10240x128xf32, #tpu.memory_space<vmem>>, vector<10000x1xf32>
    %add3A = arith.addf %get3A_1, %get3A_4 : vector<10000x1xf32>
    %add3A_5 = arith.constant 1.000000e+00 : f32
    %add3A_6 = vector.broadcast %add3A_5 : f32 to vector<10000x1xf32>
    %add3A_7 = arith.addf %add3A, %add3A_6 : vector<10000x1xf32>
    %rsqrt3A = math.rsqrt %add3A_7 : vector<10000x1xf32>
    %get3A_8 = arith.constant 0 : index
    %get3A_9 = arith.constant 0 : index
    %get3A_10 = vector.load %arg1[%get3A_8, %get3A_9] : memref<256x256xf32, #tpu.memory_space<vmem>>, vector<256x256xf32>
    %get3A_11 = arith.constant 0 : index
    %get3A_12 = arith.constant 0 : index
    %get3A_13 = vector.load %arg2[%get3A_11, %get3A_12] : memref<256x256xf32, #tpu.memory_space<vmem>>, vector<256x256xf32>
    %concatenate3A = tpu.concatenate %get3A_10, %get3A_13 in 1 : vector<256x256xf32>, vector<256x256xf32> -> vector<256x512xf32>
    %get3A_14 = arith.constant 0 : index
    %get3A_15 = arith.constant 0 : index
    %get3A_16 = vector.load %arg0[%get3A_14, %get3A_15] : memref<10000x256xf32, #tpu.memory_space<vmem>>, vector<10000x256xf32>
    %dot_general3A = arith.constant dense<0.000000e+00> : vector<10000x512xf32>
    %dot_general3A_17 = tpu.matmul %get3A_16, %concatenate3A, %dot_general3A {dimension_numbers = #tpu.dot_dimension_numbers<[1], [0], [0], [1], [0, 0, 1, 1], [], []>, transpose_lhs_hint = false} : vector<10000x256xf32>, vector<256x512xf32>, vector<10000x512xf32> -> vector<10000x512xf32>
    %mul3A = vector.broadcast %rsqrt3A : vector<10000x1xf32> to vector<10000x512xf32>
    %mul3A_18 = arith.mulf %dot_general3A_17, %mul3A : vector<10000x512xf32>
    %slice3A = vector.extract_strided_slice %mul3A_18 {offsets = [0, 0], sizes = [10000, 128], strides = [1, 1]} : vector<10000x512xf32> to vector<10000x128xf32>
    %swap3A = arith.constant 0 : index
    %swap3A_19 = arith.constant 0 : index
    %swap3A_20 = vector.load %arg5[%swap3A, %swap3A_19] : memref<10000x128xf32, #tpu.memory_space<vmem>>, vector<10000x128xf32>
    tpu.vector_store %arg5[%swap3A, %swap3A_19], %slice3A {strides = array<i32>} : memref<10000x128xf32, #tpu.memory_space<vmem>>, vector<10000x128xf32>,
    %slice3A_21 = vector.extract_strided_slice %mul3A_18 {offsets = [0, 128], sizes = [10000, 128], strides = [1, 1]} : vector<10000x512xf32> to vector<10000x128xf32>
    %swap3A_22 = arith.constant 0 : index
    %swap3A_23 = arith.constant 0 : index
    %swap3A_24 = vector.load %arg6[%swap3A_22, %swap3A_23] : memref<10000x128xf32, #tpu.memory_space<vmem>>, vector<10000x128xf32>
    tpu.vector_store %arg6[%swap3A_22, %swap3A_23], %slice3A_21 {strides = array<i32>} : memref<10000x128xf32, #tpu.memory_space<vmem>>, vector<10000x128xf32>,
    %slice3A_25 = vector.extract_strided_slice %mul3A_18 {offsets = [0, 256], sizes = [10000, 128], strides = [1, 1]} : vector<10000x512xf32> to vector<10000x128xf32>
    %swap3A_26 = arith.constant 0 : index
    %swap3A_27 = arith.constant 0 : index
    %swap3A_28 = vector.load %arg7[%swap3A_26, %swap3A_27] : memref<10000x128xf32, #tpu.memory_space<vmem>>, vector<10000x128xf32>
    tpu.vector_store %arg7[%swap3A_26, %swap3A_27], %slice3A_25 {strides = array<i32>} : memref<10000x128xf32, #tpu.memory_space<vmem>>, vector<10000x128xf32>,
    %slice3A_29 = vector.extract_strided_slice %mul3A_18 {offsets = [0, 384], sizes = [10000, 128], strides = [1, 1]} : vector<10000x512xf32> to vector<10000x128xf32>
    %swap3A_30 = arith.constant 0 : index
    %swap3A_31 = arith.constant 0 : index
    %swap3A_32 = vector.load %arg8[%swap3A_30, %swap3A_31] : memref<10000x128xf32, #tpu.memory_space<vmem>>, vector<10000x128xf32>
    tpu.vector_store %arg8[%swap3A_30, %swap3A_31], %slice3A_29 {strides = array<i32>} : memref<10000x128xf32, #tpu.memory_space<vmem>>, vector<10000x128xf32>,
    return
  }
}

module attributes {stable_mosaic.version = 14 : i64} {
  func.func @body(%arg0: i32, %arg1: memref<2000x128xf32, #tpu.memory_space<vmem>>, %arg2: memref<2000x128xf32, #tpu.memory_space<vmem>>, %arg3: memref<2000x128xf32, #tpu.memory_space<vmem>>, %arg4: memref<2000x128xf32, #tpu.memory_space<vmem>>, %arg5: memref<2000x128xf32, #tpu.memory_space<vmem>>, %arg6: memref<2000x128xf32, #tpu.memory_space<vmem>>, %arg7: memref<2000x128xf32, #tpu.memory_space<vmem>>, %arg8: memref<2000x128xf32, #tpu.memory_space<vmem>>, %arg9: memref<2000x128xf32, #tpu.memory_space<vmem>>, %arg10: memref<2000x128xf32, #tpu.memory_space<vmem>>, %arg11: memref<256xf32, #tpu.memory_space<vmem>>, %arg12: memref<256xf32, #tpu.memory_space<vmem>>, %arg13: memref<256x128xf32, #tpu.memory_space<vmem>>, %arg14: memref<256x128xf32, #tpu.memory_space<vmem>>, %arg15: memref<2000x128xf32, #tpu.memory_space<vmem>>, %arg16: memref<2000x128xf32, #tpu.memory_space<vmem>>) attributes {dimension_semantics = [#tpu.dimension_semantics<arbitrary>], iteration_bounds = array<i64: 5>, scalar_prefetch = 0 : i64, scratch_operands = 0 : i64, tpu.core_type = #tpu.core_type<tc>, window_params = [{transform_indices = @transform_0, window_bounds = array<i64: 2000, 128>}, {transform_indices = @transform_1, window_bounds = array<i64: 2000, 128>}, {transform_indices = @transform_2, window_bounds = array<i64: 2000, 128>}, {transform_indices = @transform_3, window_bounds = array<i64: 2000, 128>}, {transform_indices = @transform_4, window_bounds = array<i64: 2000, 128>}, {transform_indices = @transform_5, window_bounds = array<i64: 2000, 128>}, {transform_indices = @transform_6, window_bounds = array<i64: 2000, 128>}, {transform_indices = @transform_7, window_bounds = array<i64: 2000, 128>}, {transform_indices = @transform_8, window_bounds = array<i64: 2000, 128>}, {transform_indices = @transform_9, window_bounds = array<i64: 2000, 128>}, {pipeline_mode = #tpu.pipeline_mode<synchronous>, transform_indices = @transform_10, window_bounds = array<i64: 256>}, {pipeline_mode = #tpu.pipeline_mode<synchronous>, transform_indices = @transform_11, window_bounds = array<i64: 256>}, {pipeline_mode = #tpu.pipeline_mode<synchronous>, transform_indices = @transform_12, window_bounds = array<i64: 256, 128>}, {pipeline_mode = #tpu.pipeline_mode<synchronous>, transform_indices = @transform_13, window_bounds = array<i64: 256, 128>}, {transform_indices = @transform_14, window_bounds = array<i64: 2000, 128>}, {transform_indices = @transform_15, window_bounds = array<i64: 2000, 128>}]} {
    %get3A = arith.constant 0 : index
    %get3A_0 = arith.constant 0 : index
    %get3A_1 = vector.load %arg9[%get3A, %get3A_0] : memref<2000x128xf32, #tpu.memory_space<vmem>>, vector<2000x1xf32>
    %get3A_2 = arith.constant 0 : index
    %get3A_3 = arith.constant 0 : index
    %get3A_4 = vector.load %arg10[%get3A_2, %get3A_3] : memref<2000x128xf32, #tpu.memory_space<vmem>>, vector<2000x1xf32>
    %add3A = arith.addf %get3A_1, %get3A_4 : vector<2000x1xf32>
    %add3A_5 = arith.constant 1.000000e+00 : f32
    %add3A_6 = vector.broadcast %add3A_5 : f32 to vector<2000x1xf32>
    %add3A_7 = arith.addf %add3A, %add3A_6 : vector<2000x1xf32>
    %rsqrt3A = math.rsqrt %add3A_7 : vector<2000x1xf32>
    %get3A_8 = arith.constant 0 : index
    %get3A_9 = vector.load %arg11[%get3A_8] : memref<256xf32, #tpu.memory_space<vmem>>, vector<256xf32>
    %get3A_10 = arith.constant 0 : index
    %get3A_11 = vector.load %arg12[%get3A_10] : memref<256xf32, #tpu.memory_space<vmem>>, vector<256xf32>
    %concatenate3A = tpu.concatenate %get3A_9, %get3A_11 in 0 : vector<256xf32>, vector<256xf32> -> vector<512xf32>
    %get3A_12 = arith.constant 0 : index
    %get3A_13 = arith.constant 0 : index
    %get3A_14 = vector.load %arg1[%get3A_12, %get3A_13] : memref<2000x128xf32, #tpu.memory_space<vmem>>, vector<2000x128xf32>
    %get3A_15 = arith.constant 0 : index
    %get3A_16 = arith.constant 0 : index
    %get3A_17 = vector.load %arg5[%get3A_15, %get3A_16] : memref<2000x128xf32, #tpu.memory_space<vmem>>, vector<2000x128xf32>
    %add3A_18 = arith.addf %get3A_14, %get3A_17 : vector<2000x128xf32>
    %get3A_19 = arith.constant 0 : index
    %get3A_20 = arith.constant 0 : index
    %get3A_21 = vector.load %arg2[%get3A_19, %get3A_20] : memref<2000x128xf32, #tpu.memory_space<vmem>>, vector<2000x128xf32>
    %get3A_22 = arith.constant 0 : index
    %get3A_23 = arith.constant 0 : index
    %get3A_24 = vector.load %arg6[%get3A_22, %get3A_23] : memref<2000x128xf32, #tpu.memory_space<vmem>>, vector<2000x128xf32>
    %add3A_25 = arith.addf %get3A_21, %get3A_24 : vector<2000x128xf32>
    %get3A_26 = arith.constant 0 : index
    %get3A_27 = arith.constant 0 : index
    %get3A_28 = vector.load %arg3[%get3A_26, %get3A_27] : memref<2000x128xf32, #tpu.memory_space<vmem>>, vector<2000x128xf32>
    %get3A_29 = arith.constant 0 : index
    %get3A_30 = arith.constant 0 : index
    %get3A_31 = vector.load %arg7[%get3A_29, %get3A_30] : memref<2000x128xf32, #tpu.memory_space<vmem>>, vector<2000x128xf32>
    %add3A_32 = arith.addf %get3A_28, %get3A_31 : vector<2000x128xf32>
    %get3A_33 = arith.constant 0 : index
    %get3A_34 = arith.constant 0 : index
    %get3A_35 = vector.load %arg4[%get3A_33, %get3A_34] : memref<2000x128xf32, #tpu.memory_space<vmem>>, vector<2000x128xf32>
    %get3A_36 = arith.constant 0 : index
    %get3A_37 = arith.constant 0 : index
    %get3A_38 = vector.load %arg8[%get3A_36, %get3A_37] : memref<2000x128xf32, #tpu.memory_space<vmem>>, vector<2000x128xf32>
    %add3A_39 = arith.addf %get3A_35, %get3A_38 : vector<2000x128xf32>
    %concatenate3A_40 = tpu.concatenate %add3A_18, %add3A_25, %add3A_32, %add3A_39 in 1 : vector<2000x128xf32>, vector<2000x128xf32>, vector<2000x128xf32>, vector<2000x128xf32> -> vector<2000x512xf32>
    %mul3A = vector.broadcast %rsqrt3A : vector<2000x1xf32> to vector<2000x512xf32>
    %mul3A_41 = arith.mulf %mul3A, %concatenate3A_40 : vector<2000x512xf32>
    %broadcast_in_dim3A = vector.shape_cast %concatenate3A : vector<512xf32> to vector<1x512xf32>
    %add3A_42 = vector.broadcast %broadcast_in_dim3A : vector<1x512xf32> to vector<2000x512xf32>
    %add3A_43 = arith.addf %mul3A_41, %add3A_42 : vector<2000x512xf32>
    %slice3A = vector.extract_strided_slice %add3A_43 {offsets = [0, 0], sizes = [2000, 256], strides = [1, 1]} : vector<2000x512xf32> to vector<2000x256xf32>
    %get3A_44 = arith.constant 0 : index
    %get3A_45 = arith.constant 0 : index
    %get3A_46 = vector.load %arg13[%get3A_44, %get3A_45] : memref<256x128xf32, #tpu.memory_space<vmem>>, vector<256x128xf32>
    %dot_general3A = arith.constant dense<0.000000e+00> : vector<2000x128xf32>
    %dot_general3A_47 = tpu.matmul %slice3A, %get3A_46, %dot_general3A {dimension_numbers = #tpu.dot_dimension_numbers<[1], [0], [0], [1], [0, 0, 1, 1], [], []>, transpose_lhs_hint = false} : vector<2000x256xf32>, vector<256x128xf32>, vector<2000x128xf32> -> vector<2000x128xf32>
    %slice3A_48 = vector.extract_strided_slice %add3A_43 {offsets = [0, 256], sizes = [2000, 256], strides = [1, 1]} : vector<2000x512xf32> to vector<2000x256xf32>
    %get3A_49 = arith.constant 0 : index
    %get3A_50 = arith.constant 0 : index
    %get3A_51 = vector.load %arg14[%get3A_49, %get3A_50] : memref<256x128xf32, #tpu.memory_space<vmem>>, vector<256x128xf32>
    %dot_general3A_52 = arith.constant dense<0.000000e+00> : vector<2000x128xf32>
    %dot_general3A_53 = tpu.matmul %slice3A_48, %get3A_51, %dot_general3A_52 {dimension_numbers = #tpu.dot_dimension_numbers<[1], [0], [0], [1], [0, 0, 1, 1], [], []>, transpose_lhs_hint = false} : vector<2000x256xf32>, vector<256x128xf32>, vector<2000x128xf32> -> vector<2000x128xf32>
    %mul3A_54 = vector.broadcast %rsqrt3A : vector<2000x1xf32> to vector<2000x128xf32>
    %mul3A_55 = arith.mulf %dot_general3A_47, %mul3A_54 : vector<2000x128xf32>
    %swap3A = arith.constant 0 : index
    %swap3A_56 = arith.constant 0 : index
    %swap3A_57 = vector.load %arg15[%swap3A, %swap3A_56] : memref<2000x128xf32, #tpu.memory_space<vmem>>, vector<2000x128xf32>
    tpu.vector_store %arg15[%swap3A, %swap3A_56], %mul3A_55 {strides = array<i32>} : memref<2000x128xf32, #tpu.memory_space<vmem>>, vector<2000x128xf32>,
    %mul3A_58 = vector.broadcast %rsqrt3A : vector<2000x1xf32> to vector<2000x128xf32>
    %mul3A_59 = arith.mulf %dot_general3A_53, %mul3A_58 : vector<2000x128xf32>
    %swap3A_60 = arith.constant 0 : index
    %swap3A_61 = arith.constant 0 : index
    %swap3A_62 = vector.load %arg16[%swap3A_60, %swap3A_61] : memref<2000x128xf32, #tpu.memory_space<vmem>>, vector<2000x128xf32>
    tpu.vector_store %arg16[%swap3A_60, %swap3A_61], %mul3A_59 {strides = array<i32>} : memref<2000x128xf32, #tpu.memory_space<vmem>>, vector<2000x128xf32>,
    return
  }
  func.func @transform_0(%arg0: i32) -> (i32, i32) {
    %c0_i32 = arith.constant 0 : i32
    %c0_i32_0 = arith.constant 0 : i32
    return %arg0, %c0_i32 : i32, i32
  }
  func.func @transform_1(%arg0: i32) -> (i32, i32) {
    %c0_i32 = arith.constant 0 : i32
    %c0_i32_0 = arith.constant 0 : i32
    return %arg0, %c0_i32 : i32, i32
  }
  func.func @transform_2(%arg0: i32) -> (i32, i32) {
    %c0_i32 = arith.constant 0 : i32
    %c0_i32_0 = arith.constant 0 : i32
    return %arg0, %c0_i32 : i32, i32
  }
  func.func @transform_3(%arg0: i32) -> (i32, i32) {
    %c0_i32 = arith.constant 0 : i32
    %c0_i32_0 = arith.constant 0 : i32
    return %arg0, %c0_i32 : i32, i32
  }
  func.func @transform_4(%arg0: i32) -> (i32, i32) {
    %c0_i32 = arith.constant 0 : i32
    %c0_i32_0 = arith.constant 0 : i32
    return %arg0, %c0_i32 : i32, i32
  }
  func.func @transform_5(%arg0: i32) -> (i32, i32) {
    %c0_i32 = arith.constant 0 : i32
    %c0_i32_0 = arith.constant 0 : i32
    return %arg0, %c0_i32 : i32, i32
  }
  func.func @transform_6(%arg0: i32) -> (i32, i32) {
    %c0_i32 = arith.constant 0 : i32
    %c0_i32_0 = arith.constant 0 : i32
    return %arg0, %c0_i32 : i32, i32
  }
  func.func @transform_7(%arg0: i32) -> (i32, i32) {
    %c0_i32 = arith.constant 0 : i32
    %c0_i32_0 = arith.constant 0 : i32
    return %arg0, %c0_i32 : i32, i32
  }
  func.func @transform_8(%arg0: i32) -> (i32, i32) {
    %c0_i32 = arith.constant 0 : i32
    %c0_i32_0 = arith.constant 0 : i32
    return %arg0, %c0_i32 : i32, i32
  }
  func.func @transform_9(%arg0: i32) -> (i32, i32) {
    %c0_i32 = arith.constant 0 : i32
    %c0_i32_0 = arith.constant 0 : i32
    return %arg0, %c0_i32 : i32, i32
  }
  func.func @transform_10(%arg0: i32) -> i32 {
    %c0_i32 = arith.constant 0 : i32
    %c0_i32_0 = arith.constant 0 : i32
    return %c0_i32 : i32
  }
  func.func @transform_11(%arg0: i32) -> i32 {
    %c0_i32 = arith.constant 0 : i32
    %c0_i32_0 = arith.constant 0 : i32
    return %c0_i32 : i32
  }
  func.func @transform_12(%arg0: i32) -> (i32, i32) {
    %c0_i32 = arith.constant 0 : i32
    %c0_i32_0 = arith.constant 0 : i32
    %c0_i32_1 = arith.constant 0 : i32
    return %c0_i32, %c0_i32_0 : i32, i32
  }
  func.func @transform_13(%arg0: i32) -> (i32, i32) {
    %c0_i32 = arith.constant 0 : i32
    %c0_i32_0 = arith.constant 0 : i32
    %c0_i32_1 = arith.constant 0 : i32
    return %c0_i32, %c0_i32_0 : i32, i32
  }
  func.func @transform_14(%arg0: i32) -> (i32, i32) {
    %c0_i32 = arith.constant 0 : i32
    %c0_i32_0 = arith.constant 0 : i32
    return %arg0, %c0_i32 : i32, i32
  }
  func.func @transform_15(%arg0: i32) -> (i32, i32) {
    %c0_i32 = arith.constant 0 : i32
    %c0_i32_0 = arith.constant 0 : i32
    return %arg0, %c0_i32 : i32, i32
  }
}

module attributes {stable_mosaic.version = 14 : i64} {
  func.func @body(%arg0: memref<10240x128xf32, #tpu.memory_space<vmem>>, %arg1: memref<10240x128xf32, #tpu.memory_space<vmem>>, %arg2: memref<10000x128xf32, #tpu.memory_space<vmem>>, %arg3: memref<10000x128xf32, #tpu.memory_space<vmem>>, %arg4: memref<10240x128xf32, #tpu.memory_space<vmem>>, %arg5: memref<10240x128xf32, #tpu.memory_space<vmem>>, %arg6: memref<128xf32, #tpu.memory_space<vmem>>, %arg7: memref<128xf32, #tpu.memory_space<vmem>>, %arg8: memref<256xf32, #tpu.memory_space<vmem>>, %arg9: memref<256xf32, #tpu.memory_space<vmem>>, %arg10: memref<256x128xf32, #tpu.memory_space<vmem>>, %arg11: memref<128xf32, #tpu.memory_space<vmem>>, %arg12: memref<10000x128xf32, #tpu.memory_space<vmem>>) attributes {dimension_semantics = [], scalar_prefetch = 0 : i64, scratch_operands = 0 : i64, tpu.core_type = #tpu.core_type<tc>} {
    %get3A = arith.constant 0 : index
    %get3A_0 = arith.constant 0 : index
    %get3A_1 = vector.load %arg4[%get3A, %get3A_0] : memref<10240x128xf32, #tpu.memory_space<vmem>>, vector<10000x1xf32>
    %get3A_2 = arith.constant 0 : index
    %get3A_3 = arith.constant 0 : index
    %get3A_4 = vector.load %arg5[%get3A_2, %get3A_3] : memref<10240x128xf32, #tpu.memory_space<vmem>>, vector<10000x1xf32>
    %add3A = arith.addf %get3A_1, %get3A_4 : vector<10000x1xf32>
    %add3A_5 = arith.constant 1.000000e+00 : f32
    %add3A_6 = vector.broadcast %add3A_5 : f32 to vector<10000x1xf32>
    %add3A_7 = arith.addf %add3A, %add3A_6 : vector<10000x1xf32>
    %rsqrt3A = math.rsqrt %add3A_7 : vector<10000x1xf32>
    %get3A_8 = arith.constant 0 : index
    %get3A_9 = vector.load %arg6[%get3A_8] : memref<128xf32, #tpu.memory_space<vmem>>, vector<128xf32>
    %get3A_10 = arith.constant 0 : index
    %get3A_11 = vector.load %arg7[%get3A_10] : memref<128xf32, #tpu.memory_space<vmem>>, vector<128xf32>
    %concatenate3A = tpu.concatenate %get3A_9, %get3A_11 in 0 : vector<128xf32>, vector<128xf32> -> vector<256xf32>
    %get3A_12 = arith.constant 0 : index
    %get3A_13 = arith.constant 0 : index
    %get3A_14 = vector.load %arg0[%get3A_12, %get3A_13] : memref<10240x128xf32, #tpu.memory_space<vmem>>, vector<10000x128xf32>
    %get3A_15 = arith.constant 0 : index
    %get3A_16 = arith.constant 0 : index
    %get3A_17 = vector.load %arg2[%get3A_15, %get3A_16] : memref<10000x128xf32, #tpu.memory_space<vmem>>, vector<10000x128xf32>
    %add3A_18 = arith.addf %get3A_14, %get3A_17 : vector<10000x128xf32>
    %get3A_19 = arith.constant 0 : index
    %get3A_20 = arith.constant 0 : index
    %get3A_21 = vector.load %arg1[%get3A_19, %get3A_20] : memref<10240x128xf32, #tpu.memory_space<vmem>>, vector<10000x128xf32>
    %get3A_22 = arith.constant 0 : index
    %get3A_23 = arith.constant 0 : index
    %get3A_24 = vector.load %arg3[%get3A_22, %get3A_23] : memref<10000x128xf32, #tpu.memory_space<vmem>>, vector<10000x128xf32>
    %add3A_25 = arith.addf %get3A_21, %get3A_24 : vector<10000x128xf32>
    %concatenate3A_26 = tpu.concatenate %add3A_18, %add3A_25 in 1 : vector<10000x128xf32>, vector<10000x128xf32> -> vector<10000x256xf32>
    %mul3A = vector.broadcast %rsqrt3A : vector<10000x1xf32> to vector<10000x256xf32>
    %mul3A_27 = arith.mulf %mul3A, %concatenate3A_26 : vector<10000x256xf32>
    %broadcast_in_dim3A = vector.shape_cast %concatenate3A : vector<256xf32> to vector<1x256xf32>
    %add3A_28 = vector.broadcast %broadcast_in_dim3A : vector<1x256xf32> to vector<10000x256xf32>
    %add3A_29 = arith.addf %mul3A_27, %add3A_28 : vector<10000x256xf32>
    %reduce_sum3A = arith.constant dense<0.000000e+00> : vector<256xf32>
    %reduce_sum3A_30 = vector.multi_reduction <add>, %add3A_29, %reduce_sum3A [0] : vector<10000x256xf32> to vector<256xf32>
    %broadcast_in_dim3A_31 = vector.shape_cast %reduce_sum3A_30 : vector<256xf32> to vector<1x256xf32>
    %div3A = arith.constant 1.000000e+04 : f32
    %div3A_32 = vector.broadcast %div3A : f32 to vector<1x256xf32>
    %div3A_33 = arith.divf %broadcast_in_dim3A_31, %div3A_32 : vector<1x256xf32>
    %sub3A = vector.broadcast %div3A_33 : vector<1x256xf32> to vector<10000x256xf32>
    %sub3A_34 = arith.subf %add3A_29, %sub3A : vector<10000x256xf32>
    %mul3A_35 = arith.mulf %sub3A_34, %sub3A_34 : vector<10000x256xf32>
    %reduce_sum3A_36 = arith.constant dense<0.000000e+00> : vector<256xf32>
    %reduce_sum3A_37 = vector.multi_reduction <add>, %mul3A_35, %reduce_sum3A_36 [0] : vector<10000x256xf32> to vector<256xf32>
    %broadcast_in_dim3A_38 = vector.shape_cast %reduce_sum3A_37 : vector<256xf32> to vector<1x256xf32>
    %div3A_39 = arith.constant 1.000000e+04 : f32
    %div3A_40 = vector.broadcast %div3A_39 : f32 to vector<1x256xf32>
    %div3A_41 = arith.divf %broadcast_in_dim3A_38, %div3A_40 : vector<1x256xf32>
    %add3A_42 = arith.constant 9.99999974E-6 : f32
    %add3A_43 = vector.broadcast %add3A_42 : f32 to vector<1x256xf32>
    %add3A_44 = arith.addf %div3A_41, %add3A_43 : vector<1x256xf32>
    %rsqrt3A_45 = math.rsqrt %add3A_44 : vector<1x256xf32>
    %mul3A_46 = vector.broadcast %rsqrt3A_45 : vector<1x256xf32> to vector<10000x256xf32>
    %mul3A_47 = arith.mulf %sub3A_34, %mul3A_46 : vector<10000x256xf32>
    %get3A_48 = arith.constant 0 : index
    %get3A_49 = vector.load %arg8[%get3A_48] : memref<256xf32, #tpu.memory_space<vmem>>, vector<256xf32>
    %broadcast_in_dim3A_50 = vector.shape_cast %get3A_49 : vector<256xf32> to vector<1x256xf32>
    %mul3A_51 = vector.broadcast %broadcast_in_dim3A_50 : vector<1x256xf32> to vector<10000x256xf32>
    %mul3A_52 = arith.mulf %mul3A_47, %mul3A_51 : vector<10000x256xf32>
    %get3A_53 = arith.constant 0 : index
    %get3A_54 = vector.load %arg9[%get3A_53] : memref<256xf32, #tpu.memory_space<vmem>>, vector<256xf32>
    %broadcast_in_dim3A_55 = vector.shape_cast %get3A_54 : vector<256xf32> to vector<1x256xf32>
    %add3A_56 = vector.broadcast %broadcast_in_dim3A_55 : vector<1x256xf32> to vector<10000x256xf32>
    %add3A_57 = arith.addf %mul3A_52, %add3A_56 : vector<10000x256xf32>
    %get3A_58 = arith.constant 0 : index
    %get3A_59 = arith.constant 0 : index
    %get3A_60 = vector.load %arg10[%get3A_58, %get3A_59] : memref<256x128xf32, #tpu.memory_space<vmem>>, vector<256x128xf32>
    %dot_general3A = arith.constant dense<0.000000e+00> : vector<10000x128xf32>
    %dot_general3A_61 = tpu.matmul %add3A_57, %get3A_60, %dot_general3A {dimension_numbers = #tpu.dot_dimension_numbers<[1], [0], [0], [1], [0, 0, 1, 1], [], []>, transpose_lhs_hint = false} : vector<10000x256xf32>, vector<256x128xf32>, vector<10000x128xf32> -> vector<10000x128xf32>
    %get3A_62 = arith.constant 0 : index
    %get3A_63 = vector.load %arg11[%get3A_62] : memref<128xf32, #tpu.memory_space<vmem>>, vector<128xf32>
    %broadcast_in_dim3A_64 = vector.shape_cast %get3A_63 : vector<128xf32> to vector<1x128xf32>
    %add3A_65 = vector.broadcast %broadcast_in_dim3A_64 : vector<1x128xf32> to vector<10000x128xf32>
    %add3A_66 = arith.addf %dot_general3A_61, %add3A_65 : vector<10000x128xf32>
    %swap3A = arith.constant 0 : index
    %swap3A_67 = arith.constant 0 : index
    %swap3A_68 = vector.load %arg12[%swap3A, %swap3A_67] : memref<10000x128xf32, #tpu.memory_space<vmem>>, vector<10000x128xf32>
    tpu.vector_store %arg12[%swap3A, %swap3A_67], %add3A_66 {strides = array<i32>} : memref<10000x128xf32, #tpu.memory_space<vmem>>, vector<10000x128xf32>,
    return
  }
}

</mosaic_0001>

<sc_bundles>
// kernel: kernel.11.cloned.1.call-start
scs
__scs_entry_jumppad:
0x0: {  	(pc) =	sbr.rel $0x88, $3  }
0x1: {  	(tag) =	ssettag $0x0;
	lr =	simm.s32 $0x1  }
0x2: {  	[smem:$0x3F93] =	sst lr;
	_ =	strace $0xD0000000  }
0x3: {  	_ = 	snop  }
0x4: {  	_ = 	snop  }
0x5: {  	_ = 	snop  }
0x6: {  	_ = 	snop  }
0x7: {  	_ = 	snop  }
__scs_overlays_trampoline_lowered:
0x8: {  	[smem:$0x3FA2] =	sst s0  }
0x9: {  	[smem:$0x3FA3] =	sst s1  }
0xa: {  	[smem:$0x3FA4] =	sst s2  }
0xb: {  	[smem:$0x3FA5] =	sst s3  }
0xc: {  	[smem:$0x3FA6] =	sst s4  }
0xd: {  	[smem:$0x3FA7] =	sst s5  }
0xe: {  	[smem:$0x3FA8] =	sst s6  }
0xf: {  	[smem:$0x3FA9] =	sst s7  }
0x10: {  	[smem:$0x3FAA] =	sst s8  }
0x11: {  	[smem:$0x3FAB] =	sst s9;
	s0 =	simm.s32 @!p0 $0x0  }
0x12: {  	s1 =	sld [smem:$0x3F91];
	s0 =	simm.s32 @p0 $0x1  }
0x13: {  	[smem:$0x3FAC] =	sst s0;
	s0 =	simm.s32 @!p1 $0x0  }
0x14: {  	s2 =	sld [smem:$0x3F90];
	s0 =	simm.s32 @p1 $0x1  }
0x15: {  	[smem:$0x3FAD] =	sst s0;
	s0 =	simm.s32 @!p2 $0x0  }
0x16: {  	s3 =	sld [smem:$0x3FDB];
	s0 =	simm.s32 @p2 $0x1  }
0x17: {  	s4 =	simm.s32 $0x1BF5;
	[smem:$0x3FAF] =	sst s0  }
0x18: {  	s0 =	sld [smem:$0x3F92];
	_ =	swait.ge [sflag:s4], $0x0  }
0x19: {  	s7 =	sld [smem:$0x3F93]  }
0x1a: {  	s8 =	sadd.s32 $0xFFFFE003, lr  }
0x1b: {  	s9 =	sadd.s32 $0xFFFFFEF7, lr;
	s5 =	simm.s32 $0xFFFFFFFF;
	p2 =	slt.u32 s8, $0xFFFFF086  }
0x1c: {  	p1 =	slt.u32 s9, $0xF7A;
	s5 =	simm.s32 @!p2 $0x0  }
0x1d: {  	s5 =	simm.s32 @p1 $0x1;
	p0 =	seq.s32 s7, s2  }
0x1e: {  	s7 =	smul.u32 @!p0 $0xF7A, s2;
	p2 =	seq.s32 @!p0 s5, $0x0  }
0x1f: {  	s9 =	smul.u32 $0xF7A, s1;
	s8 =	simm.s32 @!p0 $0x1BF5;
	p2 =	por !p2, p0  }
0x20: {  	[sflag:s8] =	ssyncset.s32 @!p0 $0xFFFFF086;
	s6 =	sadd.s32 @!p0 s3, s7;
	s7 =	simm.s32 @!p0 $0x108  }
0x21: {  	s3 =	sadd.s32 s3, s9;
	s6 =	sadd.s32 @!p0 $0x88, s6;
	s7 =	simm.s32 @p2 $0x1082  }
0x22: {  	[simem:s7], [sflag:s8] =	dma.local @!p0 [hbm:s6], $0xF7A  }
0x23: {  	s9 =	sor.u32 $0xD0000000, s2;
	s6 =	simm.s32 $0x108;
	_ =	swait.ge @!p0 [sflag:s8], $0x0  }
0x24: {  	s3 =	sadd.s32 $0x88, s3;
	s6 =	simm.s32 @!p1 $0x1082;
	[sflag:s4] =	ssyncset.s32 $0xFFFFF086  }
0x25: {  	[simem:s6], [sflag:s4] =	dma.local [hbm:s3], $0xF7A  }
0x26: {  	[smem:$0x3F93] =	sst s1;
	(tag) =	ssettag s2;
	_ =	strace s9  }
0x27: {  	s1 =	sld [smem:$0x3FA3]  }
0x28: {  	s2 =	sld [smem:$0x3FA4]  }
0x29: {  	s4 =	sld [smem:$0x3FA6]  }
0x2a: {  	p0 =	seq.s32 s5, $0x0;
	s5 =	sld [smem:$0x3FA7]  }
0x2b: {  	s6 =	sld [smem:$0x3FA8]  }
0x2c: {  	s7 =	sld [smem:$0x3FA9]  }
0x2d: {  	s3 =	simm.s32 $0x108;
	s8 =	sld [smem:$0x3FAA]  }
0x2e: {  	s3 =	simm.s32 @!p0 $0x1082;
	s9 =	sld [smem:$0x3FAB]  }
0x2f: {  	lr =	sadd.s32 s0, s3;
	s0 =	sld [smem:$0x3FA2]  }
0x30: {  	s3 =	sld [smem:$0x3FA5]  }
0x31: {  	[smem:$0x3FAE] =	sst s10  }
0x32: {  	s10 =	sld [smem:$0x3FAC];
	_ =	sdelay $0x3  }
0x33: {  	p0 =	seq.s32 s10, $0x1;
	s10 =	sld [smem:$0x3FAE];
	_ =	sdelay $0x3  }
0x34: {  	[smem:$0x3FAE] =	sst s10  }
0x35: {  	s10 =	sld [smem:$0x3FAD];
	_ =	sdelay $0x3  }
0x36: {  	p1 =	seq.s32 s10, $0x1;
	s10 =	sld [smem:$0x3FAE];
	_ =	sdelay $0x3  }
0x37: {  	[smem:$0x3FAE] =	sst s10  }
0x38: {  	s10 =	sld [smem:$0x3FAF]  }
0x39: {  	_ = 	snop;
	(pc) =	sbr.ind lr, $3  }
0x3a: {  	_ = 	snop  }
0x3b: {  	_ = 	snop  }
0x3c: {  	p2 =	seq.s32 s10, $0x1;
	s10 =	sld [smem:$0x3FAE]  }
0x3d: {  	_ =	shalt  }
0x3e: {  	_ =	shalt  }
0x3f: {  	_ =	shalt  }
0x40: {  	_ =	shalt  }
0x41: {  	_ =	shalt  }
0x42: {  	_ =	shalt  }
0x43: {  	_ =	shalt  }
0x44: {  	_ =	shalt  }
0x45: {  	_ =	shalt  }
0x46: {  	_ =	shalt  }
0x47: {  	_ =	shalt  }
0x48: {  	_ =	shalt  }
0x49: {  	_ =	shalt  }
0x4a: {  	_ =	shalt  }
0x4b: {  	_ =	shalt  }
0x4c: {  	_ =	shalt  }
0x4d: {  	_ =	shalt  }
0x4e: {  	_ =	shalt  }
0x4f: {  	_ =	shalt  }
0x50: {  	_ =	shalt  }
0x51: {  	_ =	shalt  }
0x52: {  	_ =	shalt  }
0x53: {  	_ =	shalt  }
0x54: {  	_ =	shalt  }
0x55: {  	_ =	shalt  }
0x56: {  	_ =	shalt  }
0x57: {  	_ =	shalt  }
0x58: {  	_ =	shalt  }
0x59: {  	_ =	shalt  }
0x5a: {  	_ =	shalt  }
0x5b: {  	_ =	shalt  }
0x5c: {  	_ =	shalt  }
0x5d: {  	_ =	shalt  }
0x5e: {  	_ =	shalt  }
0x5f: {  	_ =	shalt  }
0x60: {  	_ =	shalt  }
0x61: {  	_ =	shalt  }
0x62: {  	_ =	shalt  }
0x63: {  	_ =	shalt  }
0x64: {  	_ =	shalt  }
0x65: {  	_ =	shalt  }
0x66: {  	_ =	shalt  }
0x67: {  	_ =	shalt  }
0x68: {  	_ =	shalt  }
0x69: {  	_ =	shalt  }
0x6a: {  	_ =	shalt  }
0x6b: {  	_ =	shalt  }
0x6c: {  	_ =	shalt  }
0x6d: {  	_ =	shalt  }
0x6e: {  	_ =	shalt  }
0x6f: {  	_ =	shalt  }
0x70: {  	_ =	shalt  }
0x71: {  	_ =	shalt  }
0x72: {  	_ =	shalt  }
0x73: {  	_ =	shalt  }
0x74: {  	_ =	shalt  }
0x75: {  	_ =	shalt  }
0x76: {  	_ =	shalt  }
0x77: {  	_ =	shalt  }
0x78: {  	_ =	shalt  }
0x79: {  	_ =	shalt  }
0x7a: {  	_ =	shalt  }
0x7b: {  	_ =	shalt  }
0x7c: {  	_ =	shalt  }
0x7d: {  	_ =	shalt  }
0x7e: {  	_ =	shalt  }
0x7f: {  	_ =	shalt  }
0x80: {  	_ =	shalt  }
0x81: {  	_ =	shalt  }
0x82: {  	_ =	shalt  }
0x83: {  	_ =	shalt  }
0x84: {  	_ =	shalt  }
0x85: {  	_ =	shalt  }
0x86: {  	_ =	shalt  }
0x87: {  	_ =	shalt  }
.Lfunc_end0:
.L_simem_size_0:
called_computation.1_lowered:
.L_overlay_start_0:
0x88: {  	s2 =	sld [smem:$0x3FD9]  }
0x89: {  	s3 =	sld [smem:$0x3FFE];
	_ =	sdelay $0x1  }
0x8a: {  	s1 =	srdreg.scid  }
0x8b: {  	s0 =	sand.u32 $0x1, s1  }
0x8c: {  	s17 =	sshll.u32 s0, $0xA;
	s2 =	sadd.s32 s3, s2  }
0x8d: {  	s2 =	sadd.s32 s2, s17  }
0x8e: {  	[smem:$0x3FBA] =	sst s2  }
0x8f: {  	_ = 	snop  }
0x90: {  	s2 =	sld [smem:$0x3FD0];
	(tm) =	ssettm $0x1  }
0x91: {  	s18 =	sld [smem:$0x3FFB];
	_ =	sdelay $0x3  }
0x92: {  	_ =	strace s18  }
0x93: {  	s3 =	sld [smem:$0x3FFC];
	_ =	sdelay $0x3  }
0x94: {  	_ =	strace s3  }
0x95: {  	s3 =	sld [smem:$0x3FFD];
	_ =	sdelay $0x3  }
0x96: {  	_ =	strace s3  }
0x97: {  	_ =	strace $0x8FFFFFFF  }
0x98: {  	s19 =	sld [smem:$0x3FDB];
	_ =	sdelay $0x1  }
0x99: {  	s4 =	simm.s32 $_scs_section_size  }
0x9a: {  	s5 =	simm.s32 $_size__tile_overlayer_lowered;
	s6 =	simm.s32 $_tile_overlayer_lowered  }
0x9b: {  	s22 =	simm.s32 $0x1BFF;
	s21 =	sshll.u32 s6, $0x1;
	s3 =	sadd.s32 s4, s19  }
0x9c: {  	s7 =	simm.s32 $0x0;
	s20 =	sshll.u32 s5, $0x1;
	s5 =	sadd.s32 s21, s3  }
0x9d: {  	[timem:s7], [sflag:s22] =	dma.local [hbm:s5], s20  }
0x9e: {  	_ =	swait.ge [sflag:s22], s20  }
0x9f: {  	s4 =	ssub.s32 $0x0, s20;
	[sflag:s22] =	ssyncset.done $0x0  }
0xa0: {  	[sflag:s22] =	ssyncadd.s32 s4;
	_ =	sdelay $0x1  }
0xa1: {  	s23 =	simm.s32 $0x1B8B  }
0xa2: {  	_ =	swait.ge [sflag:s23], $0x1  }
0xa3: {  	[sflag:s23] =	ssyncset.done $0x0  }
0xa4: {  	s25 =	simm.s32 $0x1B8E;
	s24 =	sld [smem:$0x3FFE];
	[sflag:s23] =	ssyncadd.s32 $0xFFFFFFFF  }
0xa5: {  	s26 =	simm.s32 $execute0_lowered;
	[smem:$0x3FD2] =	sst s25  }
0xa6: {  	s5 =	sshll.u32 s26, $0x1;
	_ =	strace $0x80000049;
	[dreg:$0x1] =	wrdreg $0xFFFFFFFF  }
0xa7: {  	s28 =	simm.s32 $_size_execute0_lowered;
	s3 =	sadd.s32 s3, s5;
	[dreg:$0x0] =	wrdreg $0x0  }
0xa8: {  	s5 =	sshll.u32 s28, $0x1;
	[dreg:$0x2] =	wrdreg s3  }
0xa9: {  	[dreg:$0x3] =	wrdreg s5  }
0xaa: {  	[dreg:$0x4] =	wrdreg $0xC0  }
0xab: {  	_ =	task [dreg:s7], $0x5FFFF  }
0xac: {  	[dreg:$0x1] =	wrdreg $0xFFFFFFFF  }
0xad: {  	[dreg:$0x0] =	wrdreg $0x60  }
0xae: {  	[dreg:$0x2] =	wrdreg s24  }
0xaf: {  	[dreg:$0x3] =	wrdreg s2  }
0xb0: {  	[dreg:$0x4] =	wrdreg $0x0  }
0xb1: {  	[dreg:$0x5] =	wrdreg $0x9  }
0xb2: {  	_ =	task.clear_ibuf [dreg:s7], $0x6FFFF;
	_ =	strace $0x90000049  }
0xb3: {  	s29 =	simm.s32 $0x9;
	_ =	strace $0x8000004B  }
0xb4: {  	_ =	swait.ge [sflag:s29], $0x1  }
0xb5: {  	[sflag:s29] =	ssyncadd.s32 $0xFFFFFFFF  }
0xb6: {  	_ =	strace $0x9000004B  }
0xb7: {  	_ =	sfence  }
0xb8: {  	s30 =	sld [smem:$0x0];
	_ =	sdelay $0x2  }
0xb9: {  	s31 =	sshll.u32 s1, $0xD;
	s1 =	sshrl.u32 s1, $0x2  }
0xba: {  	s3 =	sand.u32 $0x4000, s31;
	s1 =	sadd.s32 s1, s30  }
0xbb: {  	s0 =	sor.u32 s3, s0;
	s1 =	sshll.u32 s1, $0x11  }
0xbc: {  	s0 =	sor.u32 s1, s0  }
0xbd: {  	s0 =	sadd.s32 $0x8F2B, s0  }
0xbe: {  	[sflag:s0] =	ssyncadd.remote.s32 $0x1  }
0xbf: {  	_ =	sfence.sel $0xFFFF  }
0xc0: {  	[dreg:$0x0] =	wrdreg $0xFFFFFFFF;
	(pc) =	sbr.abs _section_cstart, $3  }
0xc1: {  	[dreg:$0x1] =	wrdreg $0xFFFFFFFF  }
0xc2: {  	_ =	task.clear_ibuf [dreg:s7], $0x2FFFF;
	_ =	strace $0x9FFFFFFF  }
0xc3: {  	(tm) =	ssettm $0x7FFFFFFF  }
tec
execute0_lowered:
.L_overlay_start_1:
0x0: {  	(tag) =	ssettag $0x1  }
0x1: {  	s11 =	rddreg [dreg:$0x0]  }
0x2: {  	s2 =	rddreg [dreg:$0x1]  }
0x3: {  	s3 =	rddreg [dreg:$0x2]  }
0x4: {  	s0 =	rddreg [dreg:$0x3]  }
0x5: {  	s4 =	simm.s32 $0x0;
	s1 =	stileid.u32;
	s8 =	srdreg.scid  }
0x6: {  	s19 =	simm.s32 $0x16800;
	s22 =	simm.s32 $0x80;
	s23 =	simm.s32 $0x19000  }
0x7: {  	s24 =	simm.s32 $0x1;
	s25 =	simm.s32 $0x0;
	s5 =	smul.u32 $0x500, s1  }
0x8: {  	[smem:$0x7FF] =	sst s4;
	s6 =	sadd.s32 $0x64200, s11;
	s7 =	smul.u32 $0x2800, s1  }
0x9: {  	s17 =	sand.u32 $0x1, s8;
	s8 =	sadd.s32 $0x8B400, s11;
	s9 =	sadd.s32 $0xB2600, s11  }
0xa: {  	s16 =	smul.u32 $0x50000, s1;
	s10 =	sadd.s32 $0x129800, s11;
	s20 =	sshll.u32 s1, $0x6  }
0xb: {  	_ =	strace $0x8000004A;
	s12 =	ssub.s32 $0x2, s17;
	p0 =	sne.s32 s17, $0x0  }
0xc: {  	s17 =	simm.s32 $0x14000;
	s20 =	sor.u32 $0x1C02, s20;
	s13 =	sadd.s32 s5, s11  }
.Ltmp0:
0xd: {  	s5 =	sadd.s32 $0x11A00, s11;
	s15 =	sadd.s32 s7, s11;
	(pc) =	sbr.rel .LBB2_1-.Ltmp0, $4  }
0xe: {  	s14 =	sshrl.u32 s12, $0x1;
	s11 =	sadd.s32 $0x151800, s11;
	s31 =	sshrl.u32 s16, $0x2  }
0xf: {  	s18 =	ssub.s32 s12, s14;
	s12 =	sadd.s32 $0x4A00, s13;
	s13 =	sadd.s32 $0x9A00, s13  }
0x10: {  	s21 =	sadd.s32 s31, s3;
	s14 =	sadd.s32 $0x101800, s15;
	s15 =	sadd.s32 $0xD9800, s15  }
0x11: {  	s16 =	smax.u32 s18, $0x1;
	s18 =	simm.s32 $0x2;
	s21 =	sshrl.u32 s21, $0x3  }
.LBB2_11:
0x12: {  	s28 =	sadd.s32 $0x14000, s26;
	[sflag:s18] =	ssyncadd.s32 $0xFFFFC000  }
0x13: {  	[tilespmem:s23], [sflag:$0x1] =	stream.indirect.gather [hbm4b:s9+s22], $0x80, s28, s22, $0xb8;
	[tilespmem:$0x1D000] =	vst v63  }
0x14: {  	_ =	swait.ge [sflag:s24], $0x4000  }
0x15: {  	[sflag:s24] =	ssyncset.done $0x0  }
0x16: {  	s31 =	sadd.s32 $0x16800, s26;
	[sflag:s24] =	ssyncadd.s32 $0xFFFFC000  }
0x17: {  	[spmem:s3] =	stream.indirect.scatter.add.f32 [tilespmem:s23], [sflag:$0x2], $0x80, s31, s22, $0xb8;
	[tilespmem:$0x1D000] =	vst v63  }
0x18: {  	_ =	swait.ge [sflag:s18], $0x4000  }
0x19: {  	[sflag:s18] =	ssyncset.done $0x0  }
0x1a: {  	s26 =	smov.u32 s11;
	[sflag:s18] =	ssyncadd.s32 $0xFFFFC000  }
.LBB2_12:
0x1b: {  	s26 =	sadd.s32 s26, s7;
	[bflag:$0x0] =	sbarrier.arrive $0xFFFF;
	s25 =	sadd.s32 $0x1, s25  }
0x1c: {  	[hbm:s26], [sflag:s20] =	dma.local [spmem:s21], $0x2800  }
0x1d: {  	p1 =	sne.s32 s25, s16  }
.Ltmp1:
0x1e: {  	_ =	swait.ge [sflag:s18], $0x2800;
	(pc) =	sbr.rel @!p1 .LBB2_13-.Ltmp1, $3  }
0x1f: {  	[sflag:s18] =	ssyncset.done $0x0  }
0x20: {  	[sflag:s18] =	ssyncadd.s32 $0xFFFFD800  }
0x21: {  	[bflag:$0x0] =	sbarrier.arrive $0xFFFF;
	_ =	sdelay $0x1  }
.LBB2_1:
0x22: {  	[tilespmem:s17], [sflag:$0x2] =	stream.linear.gather [hbm4b:s12+s4], $0x2800, $0x38;
	[tilespmem:$0x1D000] =	vst v63  }
0x23: {  	_ =	swait.ge [sflag:s18], $0x2800  }
0x24: {  	[sflag:s18] =	ssyncset.done $0x0  }
0x25: {  	[sflag:s18] =	ssyncadd.s32 $0xFFFFD800  }
0x26: {  	[tilespmem:s19], [sflag:$0x2] =	stream.linear.gather [hbm4b:s13+s4], $0x2800, $0x38;
	[tilespmem:$0x1D000] =	vst v63  }
0x27: {  	_ =	swait.ge [sflag:s18], $0x2800  }
0x28: {  	[sflag:s18] =	ssyncset.done $0x0  }
0x29: {  	[sflag:s18] =	ssyncadd.s32 $0xFFFFD800  }
0x2a: {  	[spmem:s21], [sflag:s20] =	dma.local [hbm:s5], $0x2800  }
.Ltmp2:
0x2b: {  	_ =	swait.ge [sflag:s18], $0x2800;
	(pc) =	sbr.rel @p0 .LBB2_7-.Ltmp2, $4  }
0x2c: {  	[sflag:s18] =	ssyncset.done $0x0  }
0x2d: {  	[sflag:s18] =	ssyncadd.s32 $0xFFFFD800  }
0x2e: {  	[bflag:$0x0] =	sbarrier.arrive $0xFFFF  }
0x2f: {  	s26 =	simm.s32 $0x14000  }
0x30: {  	[tilespmem:s23], [sflag:$0x1] =	stream.indirect.gather [hbm4b:s2+s22], $0x80, s26, s22, $0xb8;
	[tilespmem:$0x1D000] =	vst v63  }
0x31: {  	_ =	swait.ge [sflag:s24], $0x4000  }
0x32: {  	[sflag:s24] =	ssyncset.done $0x0  }
0x33: {  	s31 =	simm.s32 $0x16800;
	[sflag:s24] =	ssyncadd.s32 $0xFFFFC000  }
0x34: {  	[spmem:s3] =	stream.indirect.scatter.add.f32 [tilespmem:s23], [sflag:$0x2], $0x80, s31, s22, $0xb8;
	[tilespmem:$0x1D000] =	vst v63  }
0x35: {  	_ =	swait.ge [sflag:s18], $0x4000  }
0x36: {  	s28 =	simm.s32 $0x400;
	s26 =	simm.s32 $0x80;
	[sflag:s18] =	ssyncset.done $0x0  }
.LBB2_3:
0x37: {  	s29 =	sadd.s32 $0x14000, s26  }
0x38: {  	[sflag:s18] =	ssyncadd.s32 $0xFFFFC000;
	s30 =	smov.u32 s28;
	s31 =	sadd.s32 $0x200, s28  }
0x39: {  	[tilespmem:s23], [sflag:$0x1] =	stream.indirect.gather [hbm4b:s2+s22], $0x80, s29, s22, $0xb8;
	[tilespmem:$0x1D000] =	vst v63  }
0x3a: {  	p1 =	sne.s32 s28, $0x9E00;
	_ =	swait.ge [sflag:s24], $0x4000  }
.Ltmp3:
0x3b: {  	[sflag:s24] =	ssyncset.done $0x0;
	(pc) =	sbr.rel @p1 .LBB2_3-.Ltmp3, $4  }
0x3c: {  	s26 =	sadd.s32 $0x16800, s26;
	[sflag:s24] =	ssyncadd.s32 $0xFFFFC000  }
0x3d: {  	[spmem:s3] =	stream.indirect.scatter.add.f32 [tilespmem:s23], [sflag:$0x2], $0x80, s26, s22, $0xb8;
	[tilespmem:$0x1D000] =	vst v63  }
0x3e: {  	_ =	swait.ge [sflag:s18], $0x4000  }
0x3f: {  	s28 =	smov.u32 s31;
	s26 =	sshra.s32 s30, $0x2;
	[sflag:s18] =	ssyncset.done $0x0  }
0x40: {  	s28 =	sadd.s32 $0x14000, s26;
	[sflag:s18] =	ssyncadd.s32 $0xFFFFC000  }
0x41: {  	[tilespmem:s23], [sflag:$0x1] =	stream.indirect.gather [hbm4b:s2+s22], $0x80, s28, s22, $0xb8;
	[tilespmem:$0x1D000] =	vst v63  }
0x42: {  	_ =	swait.ge [sflag:s24], $0x4000  }
0x43: {  	[sflag:s24] =	ssyncset.done $0x0  }
0x44: {  	s29 =	sadd.s32 $0x16800, s26;
	[sflag:s24] =	ssyncadd.s32 $0xFFFFC000  }
0x45: {  	[spmem:s3] =	stream.indirect.scatter.add.f32 [tilespmem:s23], [sflag:$0x2], $0x80, s29, s22, $0xb8;
	[tilespmem:$0x1D000] =	vst v63  }
0x46: {  	_ =	swait.ge [sflag:s18], $0x4000  }
0x47: {  	[sflag:s18] =	ssyncset.done $0x0  }
0x48: {  	[sflag:s18] =	ssyncadd.s32 $0xFFFFC000  }
0x49: {  	[bflag:$0x0] =	sbarrier.arrive $0xFFFF  }
0x4a: {  	[hbm:s15], [sflag:s20] =	dma.local [spmem:s21], $0x2800  }
0x4b: {  	_ =	swait.ge [sflag:s18], $0x2800  }
0x4c: {  	[sflag:s18] =	ssyncset.done $0x0  }
0x4d: {  	[sflag:s18] =	ssyncadd.s32 $0xFFFFD800  }
0x4e: {  	[bflag:$0x0] =	sbarrier.arrive $0xFFFF  }
0x4f: {  	[spmem:s21], [sflag:s20] =	dma.local [hbm:s5], $0x2800  }
0x50: {  	_ =	swait.ge [sflag:s18], $0x2800  }
0x51: {  	[sflag:s18] =	ssyncset.done $0x0  }
0x52: {  	[sflag:s18] =	ssyncadd.s32 $0xFFFFD800  }
0x53: {  	s30 =	simm.s32 $0x14000;
	[bflag:$0x0] =	sbarrier.arrive $0xFFFF  }
0x54: {  	[tilespmem:s23], [sflag:$0x1] =	stream.indirect.gather [hbm4b:s8+s22], $0x80, s30, s22, $0xb8;
	[tilespmem:$0x1D000] =	vst v63  }
0x55: {  	_ =	swait.ge [sflag:s24], $0x4000  }
0x56: {  	[sflag:s24] =	ssyncset.done $0x0  }
0x57: {  	s31 =	simm.s32 $0x16800;
	[sflag:s24] =	ssyncadd.s32 $0xFFFFC000  }
0x58: {  	[spmem:s3] =	stream.indirect.scatter.add.f32 [tilespmem:s23], [sflag:$0x2], $0x80, s31, s22, $0xb8;
	[tilespmem:$0x1D000] =	vst v63  }
0x59: {  	_ =	swait.ge [sflag:s18], $0x4000  }
0x5a: {  	s26 =	simm.s32 $0x80;
	s28 =	simm.s32 $0x400;
	[sflag:s18] =	ssyncset.done $0x0  }
.LBB2_5:
0x5b: {  	s29 =	sadd.s32 $0x14000, s26  }
0x5c: {  	[sflag:s18] =	ssyncadd.s32 $0xFFFFC000;
	s30 =	smov.u32 s28;
	s31 =	sadd.s32 $0x200, s28  }
0x5d: {  	[tilespmem:s23], [sflag:$0x1] =	stream.indirect.gather [hbm4b:s8+s22], $0x80, s29, s22, $0xb8;
	[tilespmem:$0x1D000] =	vst v63  }
0x5e: {  	p1 =	seq.s32 s28, $0x9E00;
	_ =	swait.ge [sflag:s24], $0x4000  }
.Ltmp4:
0x5f: {  	[sflag:s24] =	ssyncset.done $0x0;
	(pc) =	sbr.rel @!p1 .LBB2_5-.Ltmp4, $4  }
0x60: {  	s26 =	sadd.s32 $0x16800, s26;
	[sflag:s24] =	ssyncadd.s32 $0xFFFFC000  }
0x61: {  	[spmem:s3] =	stream.indirect.scatter.add.f32 [tilespmem:s23], [sflag:$0x2], $0x80, s26, s22, $0xb8;
	[tilespmem:$0x1D000] =	vst v63  }
0x62: {  	_ =	swait.ge [sflag:s18], $0x4000  }
0x63: {  	s28 =	smov.u32 s31;
	s26 =	sshra.s32 s30, $0x2;
	[sflag:s18] =	ssyncset.done $0x0  }
0x64: {  	s28 =	sadd.s32 $0x14000, s26;
	[sflag:s18] =	ssyncadd.s32 $0xFFFFC000  }
0x65: {  	[tilespmem:s23], [sflag:$0x1] =	stream.indirect.gather [hbm4b:s8+s22], $0x80, s28, s22, $0xb8;
	[tilespmem:$0x1D000] =	vst v63  }
0x66: {  	_ =	swait.ge [sflag:s24], $0x4000  }
0x67: {  	[sflag:s24] =	ssyncset.done $0x0  }
.Ltmp5:
0x68: {  	s31 =	sadd.s32 $0x16800, s26;
	[sflag:s24] =	ssyncadd.s32 $0xFFFFC000;
	(pc) =	sbr.rel .LBB2_12-.Ltmp5, $4  }
0x69: {  	[spmem:s3] =	stream.indirect.scatter.add.f32 [tilespmem:s23], [sflag:$0x2], $0x80, s31, s22, $0xb8;
	[tilespmem:$0x1D000] =	vst v63  }
0x6a: {  	_ =	swait.ge [sflag:s18], $0x4000  }
0x6b: {  	[sflag:s18] =	ssyncset.done $0x0  }
0x6c: {  	s26 =	smov.u32 s10;
	[sflag:s18] =	ssyncadd.s32 $0xFFFFC000  }
.LBB2_7:
0x6d: {  	[tilespmem:s23], [sflag:$0x1] =	stream.indirect.gather [hbm4b:s6+s22], $0x80, s26, s22, $0xb8;
	[tilespmem:$0x1D000] =	vst v63  }
0x6e: {  	_ =	swait.ge [sflag:s24], $0x4000  }
0x6f: {  	[sflag:s24] =	ssyncset.done $0x0  }
0x70: {  	s31 =	simm.s32 $0x16800;
	[sflag:s24] =	ssyncadd.s32 $0xFFFFC000  }
0x71: {  	[spmem:s3] =	stream.indirect.scatter.add.f32 [tilespmem:s23], [sflag:$0x2], $0x80, s31, s22, $0xb8;
	[tilespmem:$0x1D000] =	vst v63  }
0x72: {  	_ =	swait.ge [sflag:s18], $0x4000  }
0x73: {  	s28 =	simm.s32 $0x400;
	s26 =	simm.s32 $0x80;
	[sflag:s18] =	ssyncset.done $0x0  }
.LBB2_8:
0x74: {  	s29 =	sadd.s32 $0x14000, s26  }
0x75: {  	[sflag:s18] =	ssyncadd.s32 $0xFFFFC000;
	s30 =	smov.u32 s28;
	s31 =	sadd.s32 $0x200, s28  }
0x76: {  	[tilespmem:s23], [sflag:$0x1] =	stream.indirect.gather [hbm4b:s6+s22], $0x80, s29, s22, $0xb8;
	[tilespmem:$0x1D000] =	vst v63  }
0x77: {  	p1 =	seq.s32 s28, $0x9E00;
	_ =	swait.ge [sflag:s24], $0x4000  }
.Ltmp6:
0x78: {  	[sflag:s24] =	ssyncset.done $0x0;
	(pc) =	sbr.rel @!p1 .LBB2_8-.Ltmp6, $4  }
0x79: {  	s26 =	sadd.s32 $0x16800, s26;
	[sflag:s24] =	ssyncadd.s32 $0xFFFFC000  }
0x7a: {  	[spmem:s3] =	stream.indirect.scatter.add.f32 [tilespmem:s23], [sflag:$0x2], $0x80, s26, s22, $0xb8;
	[tilespmem:$0x1D000] =	vst v63  }
0x7b: {  	_ =	swait.ge [sflag:s18], $0x4000  }
0x7c: {  	s28 =	smov.u32 s31;
	s26 =	sshra.s32 s30, $0x2;
	[sflag:s18] =	ssyncset.done $0x0  }
0x7d: {  	s28 =	sadd.s32 $0x14000, s26;
	[sflag:s18] =	ssyncadd.s32 $0xFFFFC000  }
0x7e: {  	[tilespmem:s23], [sflag:$0x1] =	stream.indirect.gather [hbm4b:s6+s22], $0x80, s28, s22, $0xb8;
	[tilespmem:$0x1D000] =	vst v63  }
0x7f: {  	_ =	swait.ge [sflag:s24], $0x4000  }
0x80: {  	[sflag:s24] =	ssyncset.done $0x0  }
0x81: {  	s29 =	sadd.s32 $0x16800, s26;
	[sflag:s24] =	ssyncadd.s32 $0xFFFFC000  }
0x82: {  	[spmem:s3] =	stream.indirect.scatter.add.f32 [tilespmem:s23], [sflag:$0x2], $0x80, s29, s22, $0xb8;
	[tilespmem:$0x1D000] =	vst v63  }
0x83: {  	_ =	swait.ge [sflag:s18], $0x4000  }
0x84: {  	[sflag:s18] =	ssyncset.done $0x0  }
0x85: {  	[sflag:s18] =	ssyncadd.s32 $0xFFFFC000  }
0x86: {  	[bflag:$0x0] =	sbarrier.arrive $0xFFFF  }
0x87: {  	[hbm:s14], [sflag:s20] =	dma.local [spmem:s21], $0x2800  }
0x88: {  	_ =	swait.ge [sflag:s18], $0x2800  }
0x89: {  	[sflag:s18] =	ssyncset.done $0x0  }
0x8a: {  	[sflag:s18] =	ssyncadd.s32 $0xFFFFD800  }
0x8b: {  	[bflag:$0x0] =	sbarrier.arrive $0xFFFF  }
0x8c: {  	[spmem:s21], [sflag:s20] =	dma.local [hbm:s5], $0x2800  }
0x8d: {  	_ =	swait.ge [sflag:s18], $0x2800  }
0x8e: {  	[sflag:s18] =	ssyncset.done $0x0  }
0x8f: {  	[sflag:s18] =	ssyncadd.s32 $0xFFFFD800  }
0x90: {  	s30 =	simm.s32 $0x14000;
	[bflag:$0x0] =	sbarrier.arrive $0xFFFF  }
0x91: {  	[tilespmem:s23], [sflag:$0x1] =	stream.indirect.gather [hbm4b:s9+s22], $0x80, s30, s22, $0xb8;
	[tilespmem:$0x1D000] =	vst v63  }
0x92: {  	_ =	swait.ge [sflag:s24], $0x4000  }
0x93: {  	[sflag:s24] =	ssyncset.done $0x0  }
0x94: {  	s31 =	simm.s32 $0x16800;
	[sflag:s24] =	ssyncadd.s32 $0xFFFFC000  }
0x95: {  	[spmem:s3] =	stream.indirect.scatter.add.f32 [tilespmem:s23], [sflag:$0x2], $0x80, s31, s22, $0xb8;
	[tilespmem:$0x1D000] =	vst v63  }
0x96: {  	_ =	swait.ge [sflag:s18], $0x4000  }
0x97: {  	s26 =	simm.s32 $0x80;
	s28 =	simm.s32 $0x400;
	[sflag:s18] =	ssyncset.done $0x0  }
.LBB2_10:
0x98: {  	s29 =	sadd.s32 $0x14000, s26  }
0x99: {  	[sflag:s18] =	ssyncadd.s32 $0xFFFFC000;
	s30 =	smov.u32 s28;
	s31 =	sadd.s32 $0x200, s28  }
0x9a: {  	[tilespmem:s23], [sflag:$0x1] =	stream.indirect.gather [hbm4b:s9+s22], $0x80, s29, s22, $0xb8;
	[tilespmem:$0x1D000] =	vst v63  }
0x9b: {  	p1 =	sne.s32 s28, $0x9E00;
	_ =	swait.ge [sflag:s24], $0x4000  }
.Ltmp7:
0x9c: {  	[sflag:s24] =	ssyncset.done $0x0;
	(pc) =	sbr.rel @p1 .LBB2_10-.Ltmp7, $4  }
0x9d: {  	s26 =	sadd.s32 $0x16800, s26;
	[sflag:s24] =	ssyncadd.s32 $0xFFFFC000  }
0x9e: {  	[spmem:s3] =	stream.indirect.scatter.add.f32 [tilespmem:s23], [sflag:$0x2], $0x80, s26, s22, $0xb8;
	[tilespmem:$0x1D000] =	vst v63  }
0x9f: {  	_ =	swait.ge [sflag:s18], $0x4000  }
0xa0: {  	s28 =	smov.u32 s31;
	s26 =	sshra.s32 s30, $0x2;
	[sflag:s18] =	ssyncset.done $0x0  }
.Ltmp8:
0xa1: {  	_ = 	snop;
	(pc) =	sbr.rel .LBB2_11-.Ltmp8, $1  }
0xa2: {  	_ =	sdelay $0x3  }
.LBB2_13:
0xa3: {  	_ =	sfence.sel $0x180000  }
0xa4: {  	[bflag:$0x0] =	sbarrier.arrive $0xFFFF  }
0xa5: {  	p0 =	sne.s32 s1, $0x0;
	_ =	strace $0x9000004A  }
0xa6: {  	s0 =	sadd.s32 @!p0 $0x100000, s0;
	[bflag:$0x2] =	sbarrier.arrive $0xFFFF  }
0xa7: {  	[sflag:s0] =	ssyncadd.tile.s32 @!p0 $0x1;
	_ =	shalt  }
.Lfunc_end2:
_tile_overlayer_lowered:
.L_overlay_start_2:
0xa8: {  	(tag) =	ssettag $0x2  }
0xa9: {  	s0 =	rddreg [dreg:$0x0];
	s2 =	stileid.u32  }
0xaa: {  	s1 =	rddreg [dreg:$0x1];
	p0 =	sne.s32 s2, $0x0  }
0xab: {  	s3 =	rddreg [dreg:$0x2];
	[bflag:$0x3] =	sbarrier.arrive $0xFFFF;
	s2 =	simm.s32 @!p0 $0x1C02  }
0xac: {  	[timem:s3], [sflag:s2] =	dma.local @!p0 [hbm:s0], s1  }
0xad: {  	s0 =	simm.s32 @!p0 $0x2  }
0xae: {  	_ =	swait.ge @!p0 [sflag:s0], s1  }
0xaf: {  	s1 =	ssub.s32 @!p0 $0x0, s1;
	[sflag:s0] =	ssyncset.done @!p0 $0x0  }
0xb0: {  	[sflag:s0] =	ssyncadd.s32 @!p0 s1  }
0xb1: {  	[bflag:$0x3] =	sbarrier.arrive $0xFFFF  }
0xb2: {  	_ =	shalt  }

// kernel: kernel.14.cloned.1.call-start
scs
__scs_entry_jumppad:
0x0: {  	(pc) =	sbr.rel $0x88, $3  }
0x1: {  	(tag) =	ssettag $0x0;
	lr =	simm.s32 $0x1  }
0x2: {  	[smem:$0x3F93] =	sst lr;
	_ =	strace $0xD0000000  }
0x3: {  	_ = 	snop  }
0x4: {  	_ = 	snop  }
0x5: {  	_ = 	snop  }
0x6: {  	_ = 	snop  }
0x7: {  	_ = 	snop  }
__scs_overlays_trampoline_lowered:
0x8: {  	[smem:$0x3FA2] =	sst s0  }
0x9: {  	[smem:$0x3FA3] =	sst s1  }
0xa: {  	[smem:$0x3FA4] =	sst s2  }
0xb: {  	[smem:$0x3FA5] =	sst s3  }
0xc: {  	[smem:$0x3FA6] =	sst s4  }
0xd: {  	[smem:$0x3FA7] =	sst s5  }
0xe: {  	[smem:$0x3FA8] =	sst s6  }
0xf: {  	[smem:$0x3FA9] =	sst s7  }
0x10: {  	[smem:$0x3FAA] =	sst s8  }
0x11: {  	[smem:$0x3FAB] =	sst s9;
	s0 =	simm.s32 @!p0 $0x0  }
0x12: {  	s1 =	sld [smem:$0x3F91];
	s0 =	simm.s32 @p0 $0x1  }
0x13: {  	[smem:$0x3FAC] =	sst s0;
	s0 =	simm.s32 @!p1 $0x0  }
0x14: {  	s2 =	sld [smem:$0x3F90];
	s0 =	simm.s32 @p1 $0x1  }
0x15: {  	[smem:$0x3FAD] =	sst s0;
	s0 =	simm.s32 @!p2 $0x0  }
0x16: {  	s3 =	sld [smem:$0x3FDB];
	s0 =	simm.s32 @p2 $0x1  }
0x17: {  	s4 =	simm.s32 $0x1BF5;
	[smem:$0x3FAF] =	sst s0  }
0x18: {  	s0 =	sld [smem:$0x3F92];
	_ =	swait.ge [sflag:s4], $0x0  }
0x19: {  	s7 =	sld [smem:$0x3F93]  }
0x1a: {  	s8 =	sadd.s32 $0xFFFFE003, lr  }
0x1b: {  	s9 =	sadd.s32 $0xFFFFFEF7, lr;
	s5 =	simm.s32 $0xFFFFFFFF;
	p2 =	slt.u32 s8, $0xFFFFF086  }
0x1c: {  	p1 =	slt.u32 s9, $0xF7A;
	s5 =	simm.s32 @!p2 $0x0  }
0x1d: {  	s5 =	simm.s32 @p1 $0x1;
	p0 =	seq.s32 s7, s2  }
0x1e: {  	s7 =	smul.u32 @!p0 $0xF7A, s2;
	p2 =	seq.s32 @!p0 s5, $0x0  }
0x1f: {  	s9 =	smul.u32 $0xF7A, s1;
	s8 =	simm.s32 @!p0 $0x1BF5;
	p2 =	por !p2, p0  }
0x20: {  	[sflag:s8] =	ssyncset.s32 @!p0 $0xFFFFF086;
	s6 =	sadd.s32 @!p0 s3, s7;
	s7 =	simm.s32 @!p0 $0x108  }
0x21: {  	s3 =	sadd.s32 s3, s9;
	s6 =	sadd.s32 @!p0 $0x88, s6;
	s7 =	simm.s32 @p2 $0x1082  }
0x22: {  	[simem:s7], [sflag:s8] =	dma.local @!p0 [hbm:s6], $0xF7A  }
0x23: {  	s9 =	sor.u32 $0xD0000000, s2;
	s6 =	simm.s32 $0x108;
	_ =	swait.ge @!p0 [sflag:s8], $0x0  }
0x24: {  	s3 =	sadd.s32 $0x88, s3;
	s6 =	simm.s32 @!p1 $0x1082;
	[sflag:s4] =	ssyncset.s32 $0xFFFFF086  }
0x25: {  	[simem:s6], [sflag:s4] =	dma.local [hbm:s3], $0xF7A  }
0x26: {  	[smem:$0x3F93] =	sst s1;
	(tag) =	ssettag s2;
	_ =	strace s9  }
0x27: {  	s1 =	sld [smem:$0x3FA3]  }
0x28: {  	s2 =	sld [smem:$0x3FA4]  }
0x29: {  	s4 =	sld [smem:$0x3FA6]  }
0x2a: {  	p0 =	seq.s32 s5, $0x0;
	s5 =	sld [smem:$0x3FA7]  }
0x2b: {  	s6 =	sld [smem:$0x3FA8]  }
0x2c: {  	s7 =	sld [smem:$0x3FA9]  }
0x2d: {  	s3 =	simm.s32 $0x108;
	s8 =	sld [smem:$0x3FAA]  }
0x2e: {  	s3 =	simm.s32 @!p0 $0x1082;
	s9 =	sld [smem:$0x3FAB]  }
0x2f: {  	lr =	sadd.s32 s0, s3;
	s0 =	sld [smem:$0x3FA2]  }
0x30: {  	s3 =	sld [smem:$0x3FA5]  }
0x31: {  	[smem:$0x3FAE] =	sst s10  }
0x32: {  	s10 =	sld [smem:$0x3FAC];
	_ =	sdelay $0x3  }
0x33: {  	p0 =	seq.s32 s10, $0x1;
	s10 =	sld [smem:$0x3FAE];
	_ =	sdelay $0x3  }
0x34: {  	[smem:$0x3FAE] =	sst s10  }
0x35: {  	s10 =	sld [smem:$0x3FAD];
	_ =	sdelay $0x3  }
0x36: {  	p1 =	seq.s32 s10, $0x1;
	s10 =	sld [smem:$0x3FAE];
	_ =	sdelay $0x3  }
0x37: {  	[smem:$0x3FAE] =	sst s10  }
0x38: {  	s10 =	sld [smem:$0x3FAF]  }
0x39: {  	_ = 	snop;
	(pc) =	sbr.ind lr, $3  }
0x3a: {  	_ = 	snop  }
0x3b: {  	_ = 	snop  }
0x3c: {  	p2 =	seq.s32 s10, $0x1;
	s10 =	sld [smem:$0x3FAE]  }
0x3d: {  	_ =	shalt  }
0x3e: {  	_ =	shalt  }
0x3f: {  	_ =	shalt  }
0x40: {  	_ =	shalt  }
0x41: {  	_ =	shalt  }
0x42: {  	_ =	shalt  }
0x43: {  	_ =	shalt  }
0x44: {  	_ =	shalt  }
0x45: {  	_ =	shalt  }
0x46: {  	_ =	shalt  }
0x47: {  	_ =	shalt  }
0x48: {  	_ =	shalt  }
0x49: {  	_ =	shalt  }
0x4a: {  	_ =	shalt  }
0x4b: {  	_ =	shalt  }
0x4c: {  	_ =	shalt  }
0x4d: {  	_ =	shalt  }
0x4e: {  	_ =	shalt  }
0x4f: {  	_ =	shalt  }
0x50: {  	_ =	shalt  }
0x51: {  	_ =	shalt  }
0x52: {  	_ =	shalt  }
0x53: {  	_ =	shalt  }
0x54: {  	_ =	shalt  }
0x55: {  	_ =	shalt  }
0x56: {  	_ =	shalt  }
0x57: {  	_ =	shalt  }
0x58: {  	_ =	shalt  }
0x59: {  	_ =	shalt  }
0x5a: {  	_ =	shalt  }
0x5b: {  	_ =	shalt  }
0x5c: {  	_ =	shalt  }
0x5d: {  	_ =	shalt  }
0x5e: {  	_ =	shalt  }
0x5f: {  	_ =	shalt  }
0x60: {  	_ =	shalt  }
0x61: {  	_ =	shalt  }
0x62: {  	_ =	shalt  }
0x63: {  	_ =	shalt  }
0x64: {  	_ =	shalt  }
0x65: {  	_ =	shalt  }
0x66: {  	_ =	shalt  }
0x67: {  	_ =	shalt  }
0x68: {  	_ =	shalt  }
0x69: {  	_ =	shalt  }
0x6a: {  	_ =	shalt  }
0x6b: {  	_ =	shalt  }
0x6c: {  	_ =	shalt  }
0x6d: {  	_ =	shalt  }
0x6e: {  	_ =	shalt  }
0x6f: {  	_ =	shalt  }
0x70: {  	_ =	shalt  }
0x71: {  	_ =	shalt  }
0x72: {  	_ =	shalt  }
0x73: {  	_ =	shalt  }
0x74: {  	_ =	shalt  }
0x75: {  	_ =	shalt  }
0x76: {  	_ =	shalt  }
0x77: {  	_ =	shalt  }
0x78: {  	_ =	shalt  }
0x79: {  	_ =	shalt  }
0x7a: {  	_ =	shalt  }
0x7b: {  	_ =	shalt  }
0x7c: {  	_ =	shalt  }
0x7d: {  	_ =	shalt  }
0x7e: {  	_ =	shalt  }
0x7f: {  	_ =	shalt  }
0x80: {  	_ =	shalt  }
0x81: {  	_ =	shalt  }
0x82: {  	_ =	shalt  }
0x83: {  	_ =	shalt  }
0x84: {  	_ =	shalt  }
0x85: {  	_ =	shalt  }
0x86: {  	_ =	shalt  }
0x87: {  	_ =	shalt  }
.Lfunc_end0:
.L_simem_size_0:
called_computation.2_lowered:
.L_overlay_start_0:
0x88: {  	s2 =	sld [smem:$0x3FD9]  }
0x89: {  	s3 =	sld [smem:$0x3FFE];
	_ =	sdelay $0x1  }
0x8a: {  	s1 =	srdreg.scid  }
0x8b: {  	s0 =	sand.u32 $0x1, s1  }
0x8c: {  	s17 =	sshll.u32 s0, $0xA;
	s2 =	sadd.s32 s3, s2  }
0x8d: {  	s2 =	sadd.s32 s2, s17  }
0x8e: {  	[smem:$0x3FBA] =	sst s2  }
0x8f: {  	_ = 	snop  }
0x90: {  	s2 =	sld [smem:$0x3FD0];
	(tm) =	ssettm $0x1  }
0x91: {  	s18 =	sld [smem:$0x3FFB];
	_ =	sdelay $0x3  }
0x92: {  	_ =	strace s18  }
0x93: {  	s3 =	sld [smem:$0x3FFC];
	_ =	sdelay $0x3  }
0x94: {  	_ =	strace s3  }
0x95: {  	s3 =	sld [smem:$0x3FFD];
	_ =	sdelay $0x3  }
0x96: {  	_ =	strace s3  }
0x97: {  	_ =	strace $0x8FFFFFFF  }
0x98: {  	s19 =	sld [smem:$0x3FDB];
	_ =	sdelay $0x1  }
0x99: {  	s4 =	simm.s32 $_scs_section_size  }
0x9a: {  	s5 =	simm.s32 $_size__tile_overlayer_lowered;
	s6 =	simm.s32 $_tile_overlayer_lowered  }
0x9b: {  	s22 =	simm.s32 $0x1BFF;
	s21 =	sshll.u32 s6, $0x1;
	s3 =	sadd.s32 s4, s19  }
0x9c: {  	s7 =	simm.s32 $0x0;
	s20 =	sshll.u32 s5, $0x1;
	s5 =	sadd.s32 s21, s3  }
0x9d: {  	[timem:s7], [sflag:s22] =	dma.local [hbm:s5], s20  }
0x9e: {  	_ =	swait.ge [sflag:s22], s20  }
0x9f: {  	s4 =	ssub.s32 $0x0, s20;
	[sflag:s22] =	ssyncset.done $0x0  }
0xa0: {  	[sflag:s22] =	ssyncadd.s32 s4;
	_ =	sdelay $0x1  }
0xa1: {  	s23 =	simm.s32 $0x1B8B  }
0xa2: {  	_ =	swait.ge [sflag:s23], $0x1  }
0xa3: {  	[sflag:s23] =	ssyncset.done $0x0  }
0xa4: {  	s25 =	simm.s32 $0x1B8E;
	s24 =	sld [smem:$0x3FFE];
	[sflag:s23] =	ssyncadd.s32 $0xFFFFFFFF  }
0xa5: {  	s26 =	simm.s32 $execute0_lowered;
	[smem:$0x3FD2] =	sst s25  }
0xa6: {  	s5 =	sshll.u32 s26, $0x1;
	_ =	strace $0x8000004C;
	[dreg:$0x1] =	wrdreg $0xFFFFFFFF  }
0xa7: {  	s28 =	simm.s32 $_size_execute0_lowered;
	s3 =	sadd.s32 s3, s5;
	[dreg:$0x0] =	wrdreg $0x0  }
0xa8: {  	s5 =	sshll.u32 s28, $0x1;
	[dreg:$0x2] =	wrdreg s3  }
0xa9: {  	[dreg:$0x3] =	wrdreg s5  }
0xaa: {  	[dreg:$0x4] =	wrdreg $0xC0  }
0xab: {  	_ =	task [dreg:s7], $0x5FFFF  }
0xac: {  	[dreg:$0x1] =	wrdreg $0xFFFFFFFF  }
0xad: {  	[dreg:$0x0] =	wrdreg $0x60  }
0xae: {  	[dreg:$0x2] =	wrdreg s24  }
0xaf: {  	[dreg:$0x3] =	wrdreg s2  }
0xb0: {  	[dreg:$0x4] =	wrdreg $0x0  }
0xb1: {  	[dreg:$0x5] =	wrdreg $0x9  }
0xb2: {  	_ =	task.clear_ibuf [dreg:s7], $0x6FFFF;
	_ =	strace $0x9000004C  }
0xb3: {  	s29 =	simm.s32 $0x9;
	_ =	strace $0x8000004E  }
0xb4: {  	_ =	swait.ge [sflag:s29], $0x1  }
0xb5: {  	[sflag:s29] =	ssyncadd.s32 $0xFFFFFFFF  }
0xb6: {  	_ =	strace $0x9000004E  }
0xb7: {  	_ =	sfence  }
0xb8: {  	s30 =	sld [smem:$0x0];
	_ =	sdelay $0x2  }
0xb9: {  	s31 =	sshll.u32 s1, $0xD;
	s1 =	sshrl.u32 s1, $0x2  }
0xba: {  	s3 =	sand.u32 $0x4000, s31;
	s1 =	sadd.s32 s1, s30  }
0xbb: {  	s0 =	sor.u32 s3, s0;
	s1 =	sshll.u32 s1, $0x11  }
0xbc: {  	s0 =	sor.u32 s1, s0  }
0xbd: {  	s0 =	sadd.s32 $0x8F2B, s0  }
0xbe: {  	[sflag:s0] =	ssyncadd.remote.s32 $0x1  }
0xbf: {  	_ =	sfence.sel $0xFFFF  }
0xc0: {  	[dreg:$0x0] =	wrdreg $0xFFFFFFFF;
	(pc) =	sbr.abs _section_cstart, $3  }
0xc1: {  	[dreg:$0x1] =	wrdreg $0xFFFFFFFF  }
0xc2: {  	_ =	task.clear_ibuf [dreg:s7], $0x2FFFF;
	_ =	strace $0x9FFFFFFF  }
0xc3: {  	(tm) =	ssettm $0x7FFFFFFF  }
tec
execute0_lowered:
.L_overlay_start_1:
0x0: {  	(tag) =	ssettag $0x1  }
0x1: {  	s8 =	rddreg [dreg:$0x0]  }
0x2: {  	s2 =	rddreg [dreg:$0x1]  }
0x3: {  	s3 =	rddreg [dreg:$0x2]  }
0x4: {  	s0 =	rddreg [dreg:$0x3];
	s4 =	simm.s32 $0x0  }
0x5: {  	s1 =	stileid.u32;
	s6 =	srdreg.scid;
	s14 =	simm.s32 $0x2  }
0x6: {  	s15 =	simm.s32 $0x16800;
	s18 =	simm.s32 $0x80;
	s19 =	simm.s32 $0x19000  }
0x7: {  	s20 =	simm.s32 $0x1;
	s21 =	simm.s32 $0x0;
	[smem:$0x7FF] =	sst s4  }
0x8: {  	s5 =	smul.u32 $0x500, s1;
	s11 =	sand.u32 $0x1, s6;
	s6 =	sadd.s32 $0x64200, s8  }
0x9: {  	s12 =	smul.u32 $0x50000, s1;
	s7 =	sadd.s32 $0x8B400, s8;
	s16 =	sshll.u32 s1, $0x6  }
0xa: {  	s9 =	ssub.s32 $0x2, s11;
	p0 =	seq.s32 s11, $0x1;
	s11 =	smul.u32 $0x2800, s1  }
.Ltmp0:
0xb: {  	_ =	strace $0x8000004D;
	s16 =	sor.u32 $0x1C02, s16;
	(pc) =	sbr.rel .LBB2_1-.Ltmp0, $4  }
0xc: {  	s10 =	sadd.s32 s5, s8;
	s5 =	sadd.s32 $0x11A00, s8;
	s13 =	sshrl.u32 s9, $0x1  }
0xd: {  	s8 =	sadd.s32 $0xB3400, s8;
	s12 =	sshrl.u32 s12, $0x2;
	s13 =	ssub.s32 s9, s13  }
0xe: {  	s9 =	sadd.s32 $0x4A00, s10;
	s10 =	sadd.s32 $0x9A00, s10;
	s17 =	sadd.s32 s12, s3  }
0xf: {  	s12 =	smax.u32 s13, $0x1;
	s13 =	simm.s32 $0x14000;
	s17 =	sshrl.u32 s17, $0x3  }
.LBB2_7:
0x10: {  	s23 =	sadd.s32 $0x14000, s22;
	[sflag:s14] =	ssyncadd.s32 $0xFFFFC000  }
0x11: {  	[tilespmem:s19], [sflag:$0x1] =	stream.indirect.gather [hbm4b:s6+s18], $0x80, s23, s18, $0xb8;
	[tilespmem:$0x1D000] =	vst v63  }
0x12: {  	_ =	swait.ge [sflag:s20], $0x4000  }
0x13: {  	[sflag:s20] =	ssyncset.done $0x0  }
0x14: {  	s31 =	sadd.s32 $0x16800, s22;
	[sflag:s20] =	ssyncadd.s32 $0xFFFFC000  }
0x15: {  	[spmem:s3] =	stream.indirect.scatter.add.f32 [tilespmem:s19], [sflag:$0x2], $0x80, s31, s18, $0xb8;
	[tilespmem:$0x1D000] =	vst v63  }
0x16: {  	_ =	swait.ge [sflag:s14], $0x4000  }
0x17: {  	[sflag:s14] =	ssyncset.done $0x0  }
0x18: {  	s22 =	smov.u32 s8;
	[sflag:s14] =	ssyncadd.s32 $0xFFFFC000  }
.LBB2_8:
0x19: {  	s22 =	sadd.s32 s22, s11;
	[bflag:$0x0] =	sbarrier.arrive $0xFFFF;
	s21 =	sadd.s32 $0x1, s21  }
0x1a: {  	[hbm:s22], [sflag:s16] =	dma.local [spmem:s17], $0x2800  }
0x1b: {  	p1 =	sne.s32 s21, s12  }
.Ltmp1:
0x1c: {  	_ =	swait.ge [sflag:s14], $0x2800;
	(pc) =	sbr.rel @!p1 .LBB2_9-.Ltmp1, $3  }
0x1d: {  	[sflag:s14] =	ssyncset.done $0x0  }
0x1e: {  	[sflag:s14] =	ssyncadd.s32 $0xFFFFD800  }
0x1f: {  	[bflag:$0x0] =	sbarrier.arrive $0xFFFF;
	_ =	sdelay $0x1  }
.LBB2_1:
0x20: {  	[tilespmem:s13], [sflag:$0x2] =	stream.linear.gather [hbm4b:s9+s4], $0x2800, $0x38;
	[tilespmem:$0x1D000] =	vst v63  }
0x21: {  	_ =	swait.ge [sflag:s14], $0x2800  }
0x22: {  	[sflag:s14] =	ssyncset.done $0x0  }
0x23: {  	[sflag:s14] =	ssyncadd.s32 $0xFFFFD800  }
0x24: {  	[tilespmem:s15], [sflag:$0x2] =	stream.linear.gather [hbm4b:s10+s4], $0x2800, $0x38;
	[tilespmem:$0x1D000] =	vst v63  }
0x25: {  	_ =	swait.ge [sflag:s14], $0x2800  }
0x26: {  	[sflag:s14] =	ssyncset.done $0x0  }
0x27: {  	[sflag:s14] =	ssyncadd.s32 $0xFFFFD800  }
0x28: {  	[spmem:s17], [sflag:s16] =	dma.local [hbm:s5], $0x2800  }
.Ltmp2:
0x29: {  	_ =	swait.ge [sflag:s14], $0x2800;
	(pc) =	sbr.rel @!p0 .LBB2_2-.Ltmp2, $4  }
0x2a: {  	[sflag:s14] =	ssyncset.done $0x0  }
0x2b: {  	[sflag:s14] =	ssyncadd.s32 $0xFFFFD800  }
0x2c: {  	[bflag:$0x0] =	sbarrier.arrive $0xFFFF  }
0x2d: {  	s22 =	simm.s32 $0x14000  }
0x2e: {  	[tilespmem:s19], [sflag:$0x1] =	stream.indirect.gather [hbm4b:s6+s18], $0x80, s22, s18, $0xb8;
	[tilespmem:$0x1D000] =	vst v63  }
0x2f: {  	_ =	swait.ge [sflag:s20], $0x4000  }
0x30: {  	[sflag:s20] =	ssyncset.done $0x0  }
0x31: {  	s31 =	simm.s32 $0x16800;
	[sflag:s20] =	ssyncadd.s32 $0xFFFFC000  }
0x32: {  	[spmem:s3] =	stream.indirect.scatter.add.f32 [tilespmem:s19], [sflag:$0x2], $0x80, s31, s18, $0xb8;
	[tilespmem:$0x1D000] =	vst v63  }
0x33: {  	_ =	swait.ge [sflag:s14], $0x4000  }
0x34: {  	s23 =	simm.s32 $0x400;
	s22 =	simm.s32 $0x80;
	[sflag:s14] =	ssyncset.done $0x0  }
.LBB2_6:
0x35: {  	s24 =	sadd.s32 $0x14000, s22  }
0x36: {  	[sflag:s14] =	ssyncadd.s32 $0xFFFFC000;
	s25 =	smov.u32 s23;
	s26 =	sadd.s32 $0x200, s23  }
0x37: {  	[tilespmem:s19], [sflag:$0x1] =	stream.indirect.gather [hbm4b:s6+s18], $0x80, s24, s18, $0xb8;
	[tilespmem:$0x1D000] =	vst v63  }
0x38: {  	p1 =	sne.s32 s23, $0x9E00;
	_ =	swait.ge [sflag:s20], $0x4000  }
.Ltmp3:
0x39: {  	[sflag:s20] =	ssyncset.done $0x0;
	(pc) =	sbr.rel @p1 .LBB2_6-.Ltmp3, $4  }
0x3a: {  	s22 =	sadd.s32 $0x16800, s22;
	[sflag:s20] =	ssyncadd.s32 $0xFFFFC000  }
0x3b: {  	[spmem:s3] =	stream.indirect.scatter.add.f32 [tilespmem:s19], [sflag:$0x2], $0x80, s22, s18, $0xb8;
	[tilespmem:$0x1D000] =	vst v63  }
0x3c: {  	_ =	swait.ge [sflag:s14], $0x4000  }
0x3d: {  	s23 =	smov.u32 s26;
	s22 =	sshra.s32 s25, $0x2;
	[sflag:s14] =	ssyncset.done $0x0  }
.Ltmp4:
0x3e: {  	_ = 	snop;
	(pc) =	sbr.rel .LBB2_7-.Ltmp4, $1  }
0x3f: {  	_ =	sdelay $0x3  }
.LBB2_2:
0x40: {  	[tilespmem:s19], [sflag:$0x1] =	stream.indirect.gather [hbm4b:s2+s18], $0x80, s22, s18, $0xb8;
	[tilespmem:$0x1D000] =	vst v63  }
0x41: {  	_ =	swait.ge [sflag:s20], $0x4000  }
0x42: {  	[sflag:s20] =	ssyncset.done $0x0  }
0x43: {  	s31 =	simm.s32 $0x16800;
	[sflag:s20] =	ssyncadd.s32 $0xFFFFC000  }
0x44: {  	[spmem:s3] =	stream.indirect.scatter.add.f32 [tilespmem:s19], [sflag:$0x2], $0x80, s31, s18, $0xb8;
	[tilespmem:$0x1D000] =	vst v63  }
0x45: {  	_ =	swait.ge [sflag:s14], $0x4000  }
0x46: {  	s23 =	simm.s32 $0x400;
	s22 =	simm.s32 $0x80;
	[sflag:s14] =	ssyncset.done $0x0  }
.LBB2_3:
0x47: {  	s24 =	sadd.s32 $0x14000, s22  }
0x48: {  	[sflag:s14] =	ssyncadd.s32 $0xFFFFC000;
	s25 =	smov.u32 s23;
	s26 =	sadd.s32 $0x200, s23  }
0x49: {  	[tilespmem:s19], [sflag:$0x1] =	stream.indirect.gather [hbm4b:s2+s18], $0x80, s24, s18, $0xb8;
	[tilespmem:$0x1D000] =	vst v63  }
0x4a: {  	p1 =	seq.s32 s23, $0x9E00;
	_ =	swait.ge [sflag:s20], $0x4000  }
.Ltmp5:
0x4b: {  	[sflag:s20] =	ssyncset.done $0x0;
	(pc) =	sbr.rel @!p1 .LBB2_3-.Ltmp5, $4  }
0x4c: {  	s22 =	sadd.s32 $0x16800, s22;
	[sflag:s20] =	ssyncadd.s32 $0xFFFFC000  }
0x4d: {  	[spmem:s3] =	stream.indirect.scatter.add.f32 [tilespmem:s19], [sflag:$0x2], $0x80, s22, s18, $0xb8;
	[tilespmem:$0x1D000] =	vst v63  }
0x4e: {  	_ =	swait.ge [sflag:s14], $0x4000  }
0x4f: {  	s23 =	smov.u32 s26;
	s22 =	sshra.s32 s25, $0x2;
	[sflag:s14] =	ssyncset.done $0x0  }
0x50: {  	s23 =	sadd.s32 $0x14000, s22;
	[sflag:s14] =	ssyncadd.s32 $0xFFFFC000  }
0x51: {  	[tilespmem:s19], [sflag:$0x1] =	stream.indirect.gather [hbm4b:s2+s18], $0x80, s23, s18, $0xb8;
	[tilespmem:$0x1D000] =	vst v63  }
0x52: {  	_ =	swait.ge [sflag:s20], $0x4000  }
0x53: {  	[sflag:s20] =	ssyncset.done $0x0  }
.Ltmp6:
0x54: {  	s31 =	sadd.s32 $0x16800, s22;
	[sflag:s20] =	ssyncadd.s32 $0xFFFFC000;
	(pc) =	sbr.rel .LBB2_8-.Ltmp6, $4  }
0x55: {  	[spmem:s3] =	stream.indirect.scatter.add.f32 [tilespmem:s19], [sflag:$0x2], $0x80, s31, s18, $0xb8;
	[tilespmem:$0x1D000] =	vst v63  }
0x56: {  	_ =	swait.ge [sflag:s14], $0x4000  }
0x57: {  	[sflag:s14] =	ssyncset.done $0x0  }
0x58: {  	s22 =	smov.u32 s7;
	[sflag:s14] =	ssyncadd.s32 $0xFFFFC000  }
.LBB2_9:
0x59: {  	_ =	sfence.sel $0x180000  }
0x5a: {  	[bflag:$0x0] =	sbarrier.arrive $0xFFFF  }
0x5b: {  	p0 =	sne.s32 s1, $0x0;
	_ =	strace $0x9000004D  }
0x5c: {  	s0 =	sadd.s32 @!p0 $0x100000, s0;
	[bflag:$0x2] =	sbarrier.arrive $0xFFFF  }
0x5d: {  	[sflag:s0] =	ssyncadd.tile.s32 @!p0 $0x1;
	_ =	shalt  }
.Lfunc_end2:
_tile_overlayer_lowered:
.L_overlay_start_2:
0x5e: {  	(tag) =	ssettag $0x2  }
0x5f: {  	s0 =	rddreg [dreg:$0x0];
	s2 =	stileid.u32  }
0x60: {  	s1 =	rddreg [dreg:$0x1];
	p0 =	sne.s32 s2, $0x0  }
0x61: {  	s3 =	rddreg [dreg:$0x2];
	[bflag:$0x3] =	sbarrier.arrive $0xFFFF;
	s2 =	simm.s32 @!p0 $0x1C02  }
0x62: {  	[timem:s3], [sflag:s2] =	dma.local @!p0 [hbm:s0], s1  }
0x63: {  	s0 =	simm.s32 @!p0 $0x2  }
0x64: {  	_ =	swait.ge @!p0 [sflag:s0], s1  }
0x65: {  	s1 =	ssub.s32 @!p0 $0x0, s1;
	[sflag:s0] =	ssyncset.done @!p0 $0x0  }
0x66: {  	[sflag:s0] =	ssyncadd.s32 @!p0 s1  }
0x67: {  	[bflag:$0x3] =	sbarrier.arrive $0xFFFF  }
0x68: {  	_ =	shalt  }

// kernel: kernel.8.cloned.1.call-start
scs
__scs_entry_jumppad:
0x0: {  	(pc) =	sbr.rel $0x88, $3  }
0x1: {  	(tag) =	ssettag $0x0;
	lr =	simm.s32 $0x1  }
0x2: {  	[smem:$0x3F93] =	sst lr;
	_ =	strace $0xD0000000  }
0x3: {  	_ = 	snop  }
0x4: {  	_ = 	snop  }
0x5: {  	_ = 	snop  }
0x6: {  	_ = 	snop  }
0x7: {  	_ = 	snop  }
__scs_overlays_trampoline_lowered:
0x8: {  	[smem:$0x3FA2] =	sst s0  }
0x9: {  	[smem:$0x3FA3] =	sst s1  }
0xa: {  	[smem:$0x3FA4] =	sst s2  }
0xb: {  	[smem:$0x3FA5] =	sst s3  }
0xc: {  	[smem:$0x3FA6] =	sst s4  }
0xd: {  	[smem:$0x3FA7] =	sst s5  }
0xe: {  	[smem:$0x3FA8] =	sst s6  }
0xf: {  	[smem:$0x3FA9] =	sst s7  }
0x10: {  	[smem:$0x3FAA] =	sst s8  }
0x11: {  	[smem:$0x3FAB] =	sst s9;
	s0 =	simm.s32 @!p0 $0x0  }
0x12: {  	s1 =	sld [smem:$0x3F91];
	s0 =	simm.s32 @p0 $0x1  }
0x13: {  	[smem:$0x3FAC] =	sst s0;
	s0 =	simm.s32 @!p1 $0x0  }
0x14: {  	s2 =	sld [smem:$0x3F90];
	s0 =	simm.s32 @p1 $0x1  }
0x15: {  	[smem:$0x3FAD] =	sst s0;
	s0 =	simm.s32 @!p2 $0x0  }
0x16: {  	s3 =	sld [smem:$0x3FDB];
	s0 =	simm.s32 @p2 $0x1  }
0x17: {  	s4 =	simm.s32 $0x1BF5;
	[smem:$0x3FAF] =	sst s0  }
0x18: {  	s0 =	sld [smem:$0x3F92];
	_ =	swait.ge [sflag:s4], $0x0  }
0x19: {  	s7 =	sld [smem:$0x3F93]  }
0x1a: {  	s8 =	sadd.s32 $0xFFFFE003, lr  }
0x1b: {  	s9 =	sadd.s32 $0xFFFFFEF7, lr;
	s5 =	simm.s32 $0xFFFFFFFF;
	p2 =	slt.u32 s8, $0xFFFFF086  }
0x1c: {  	p1 =	slt.u32 s9, $0xF7A;
	s5 =	simm.s32 @!p2 $0x0  }
0x1d: {  	s5 =	simm.s32 @p1 $0x1;
	p0 =	seq.s32 s7, s2  }
0x1e: {  	s7 =	smul.u32 @!p0 $0xF7A, s2;
	p2 =	seq.s32 @!p0 s5, $0x0  }
0x1f: {  	s9 =	smul.u32 $0xF7A, s1;
	s8 =	simm.s32 @!p0 $0x1BF5;
	p2 =	por !p2, p0  }
0x20: {  	[sflag:s8] =	ssyncset.s32 @!p0 $0xFFFFF086;
	s6 =	sadd.s32 @!p0 s3, s7;
	s7 =	simm.s32 @!p0 $0x108  }
0x21: {  	s3 =	sadd.s32 s3, s9;
	s6 =	sadd.s32 @!p0 $0x88, s6;
	s7 =	simm.s32 @p2 $0x1082  }
0x22: {  	[simem:s7], [sflag:s8] =	dma.local @!p0 [hbm:s6], $0xF7A  }
0x23: {  	s9 =	sor.u32 $0xD0000000, s2;
	s6 =	simm.s32 $0x108;
	_ =	swait.ge @!p0 [sflag:s8], $0x0  }
0x24: {  	s3 =	sadd.s32 $0x88, s3;
	s6 =	simm.s32 @!p1 $0x1082;
	[sflag:s4] =	ssyncset.s32 $0xFFFFF086  }
0x25: {  	[simem:s6], [sflag:s4] =	dma.local [hbm:s3], $0xF7A  }
0x26: {  	[smem:$0x3F93] =	sst s1;
	(tag) =	ssettag s2;
	_ =	strace s9  }
0x27: {  	s1 =	sld [smem:$0x3FA3]  }
0x28: {  	s2 =	sld [smem:$0x3FA4]  }
0x29: {  	s4 =	sld [smem:$0x3FA6]  }
0x2a: {  	p0 =	seq.s32 s5, $0x0;
	s5 =	sld [smem:$0x3FA7]  }
0x2b: {  	s6 =	sld [smem:$0x3FA8]  }
0x2c: {  	s7 =	sld [smem:$0x3FA9]  }
0x2d: {  	s3 =	simm.s32 $0x108;
	s8 =	sld [smem:$0x3FAA]  }
0x2e: {  	s3 =	simm.s32 @!p0 $0x1082;
	s9 =	sld [smem:$0x3FAB]  }
0x2f: {  	lr =	sadd.s32 s0, s3;
	s0 =	sld [smem:$0x3FA2]  }
0x30: {  	s3 =	sld [smem:$0x3FA5]  }
0x31: {  	[smem:$0x3FAE] =	sst s10  }
0x32: {  	s10 =	sld [smem:$0x3FAC];
	_ =	sdelay $0x3  }
0x33: {  	p0 =	seq.s32 s10, $0x1;
	s10 =	sld [smem:$0x3FAE];
	_ =	sdelay $0x3  }
0x34: {  	[smem:$0x3FAE] =	sst s10  }
0x35: {  	s10 =	sld [smem:$0x3FAD];
	_ =	sdelay $0x3  }
0x36: {  	p1 =	seq.s32 s10, $0x1;
	s10 =	sld [smem:$0x3FAE];
	_ =	sdelay $0x3  }
0x37: {  	[smem:$0x3FAE] =	sst s10  }
0x38: {  	s10 =	sld [smem:$0x3FAF]  }
0x39: {  	_ = 	snop;
	(pc) =	sbr.ind lr, $3  }
0x3a: {  	_ = 	snop  }
0x3b: {  	_ = 	snop  }
0x3c: {  	p2 =	seq.s32 s10, $0x1;
	s10 =	sld [smem:$0x3FAE]  }
0x3d: {  	_ =	shalt  }
0x3e: {  	_ =	shalt  }
0x3f: {  	_ =	shalt  }
0x40: {  	_ =	shalt  }
0x41: {  	_ =	shalt  }
0x42: {  	_ =	shalt  }
0x43: {  	_ =	shalt  }
0x44: {  	_ =	shalt  }
0x45: {  	_ =	shalt  }
0x46: {  	_ =	shalt  }
0x47: {  	_ =	shalt  }
0x48: {  	_ =	shalt  }
0x49: {  	_ =	shalt  }
0x4a: {  	_ =	shalt  }
0x4b: {  	_ =	shalt  }
0x4c: {  	_ =	shalt  }
0x4d: {  	_ =	shalt  }
0x4e: {  	_ =	shalt  }
0x4f: {  	_ =	shalt  }
0x50: {  	_ =	shalt  }
0x51: {  	_ =	shalt  }
0x52: {  	_ =	shalt  }
0x53: {  	_ =	shalt  }
0x54: {  	_ =	shalt  }
0x55: {  	_ =	shalt  }
0x56: {  	_ =	shalt  }
0x57: {  	_ =	shalt  }
0x58: {  	_ =	shalt  }
0x59: {  	_ =	shalt  }
0x5a: {  	_ =	shalt  }
0x5b: {  	_ =	shalt  }
0x5c: {  	_ =	shalt  }
0x5d: {  	_ =	shalt  }
0x5e: {  	_ =	shalt  }
0x5f: {  	_ =	shalt  }
0x60: {  	_ =	shalt  }
0x61: {  	_ =	shalt  }
0x62: {  	_ =	shalt  }
0x63: {  	_ =	shalt  }
0x64: {  	_ =	shalt  }
0x65: {  	_ =	shalt  }
0x66: {  	_ =	shalt  }
0x67: {  	_ =	shalt  }
0x68: {  	_ =	shalt  }
0x69: {  	_ =	shalt  }
0x6a: {  	_ =	shalt  }
0x6b: {  	_ =	shalt  }
0x6c: {  	_ =	shalt  }
0x6d: {  	_ =	shalt  }
0x6e: {  	_ =	shalt  }
0x6f: {  	_ =	shalt  }
0x70: {  	_ =	shalt  }
0x71: {  	_ =	shalt  }
0x72: {  	_ =	shalt  }
0x73: {  	_ =	shalt  }
0x74: {  	_ =	shalt  }
0x75: {  	_ =	shalt  }
0x76: {  	_ =	shalt  }
0x77: {  	_ =	shalt  }
0x78: {  	_ =	shalt  }
0x79: {  	_ =	shalt  }
0x7a: {  	_ =	shalt  }
0x7b: {  	_ =	shalt  }
0x7c: {  	_ =	shalt  }
0x7d: {  	_ =	shalt  }
0x7e: {  	_ =	shalt  }
0x7f: {  	_ =	shalt  }
0x80: {  	_ =	shalt  }
0x81: {  	_ =	shalt  }
0x82: {  	_ =	shalt  }
0x83: {  	_ =	shalt  }
0x84: {  	_ =	shalt  }
0x85: {  	_ =	shalt  }
0x86: {  	_ =	shalt  }
0x87: {  	_ =	shalt  }
.Lfunc_end0:
.L_simem_size_0:
called_computation_lowered:
.L_overlay_start_0:
0x88: {  	s2 =	sld [smem:$0x3FD9]  }
0x89: {  	s3 =	sld [smem:$0x3FFE];
	_ =	sdelay $0x1  }
0x8a: {  	s1 =	srdreg.scid  }
0x8b: {  	s0 =	sand.u32 $0x1, s1  }
0x8c: {  	s17 =	sshll.u32 s0, $0xA;
	s2 =	sadd.s32 s3, s2  }
0x8d: {  	s2 =	sadd.s32 s2, s17  }
0x8e: {  	[smem:$0x3FBA] =	sst s2  }
0x8f: {  	_ = 	snop  }
0x90: {  	s2 =	sld [smem:$0x3FD0];
	(tm) =	ssettm $0x1  }
0x91: {  	s18 =	sld [smem:$0x3FFB];
	_ =	sdelay $0x3  }
0x92: {  	_ =	strace s18  }
0x93: {  	s3 =	sld [smem:$0x3FFC];
	_ =	sdelay $0x3  }
0x94: {  	_ =	strace s3  }
0x95: {  	s3 =	sld [smem:$0x3FFD];
	_ =	sdelay $0x3  }
0x96: {  	_ =	strace s3  }
0x97: {  	_ =	strace $0x8FFFFFFF  }
0x98: {  	s19 =	sld [smem:$0x3FDB];
	_ =	sdelay $0x1  }
0x99: {  	s4 =	simm.s32 $_scs_section_size  }
0x9a: {  	s5 =	simm.s32 $_size__tile_overlayer_lowered;
	s6 =	simm.s32 $_tile_overlayer_lowered  }
0x9b: {  	s22 =	simm.s32 $0x1BFF;
	s21 =	sshll.u32 s6, $0x1;
	s3 =	sadd.s32 s4, s19  }
0x9c: {  	s7 =	simm.s32 $0x0;
	s20 =	sshll.u32 s5, $0x1;
	s5 =	sadd.s32 s21, s3  }
0x9d: {  	[timem:s7], [sflag:s22] =	dma.local [hbm:s5], s20  }
0x9e: {  	_ =	swait.ge [sflag:s22], s20  }
0x9f: {  	s4 =	ssub.s32 $0x0, s20;
	[sflag:s22] =	ssyncset.done $0x0  }
0xa0: {  	[sflag:s22] =	ssyncadd.s32 s4;
	_ =	sdelay $0x1  }
0xa1: {  	s23 =	simm.s32 $0x1B8B  }
0xa2: {  	_ =	swait.ge [sflag:s23], $0x1  }
0xa3: {  	[sflag:s23] =	ssyncset.done $0x0  }
0xa4: {  	s25 =	simm.s32 $0x1B8E;
	s24 =	sld [smem:$0x3FFE];
	[sflag:s23] =	ssyncadd.s32 $0xFFFFFFFF  }
0xa5: {  	s26 =	simm.s32 $execute0_lowered;
	[smem:$0x3FD2] =	sst s25  }
0xa6: {  	s5 =	sshll.u32 s26, $0x1;
	_ =	strace $0x80000046;
	[dreg:$0x1] =	wrdreg $0xFFFFFFFF  }
0xa7: {  	s28 =	simm.s32 $_size_execute0_lowered;
	s3 =	sadd.s32 s3, s5;
	[dreg:$0x0] =	wrdreg $0x0  }
0xa8: {  	s5 =	sshll.u32 s28, $0x1;
	[dreg:$0x2] =	wrdreg s3  }
0xa9: {  	[dreg:$0x3] =	wrdreg s5  }
0xaa: {  	[dreg:$0x4] =	wrdreg $0xC0  }
0xab: {  	_ =	task [dreg:s7], $0x5FFFF  }
0xac: {  	[dreg:$0x1] =	wrdreg $0xFFFFFFFF  }
0xad: {  	[dreg:$0x0] =	wrdreg $0x60  }
0xae: {  	[dreg:$0x2] =	wrdreg s24  }
0xaf: {  	[dreg:$0x3] =	wrdreg s2  }
0xb0: {  	[dreg:$0x4] =	wrdreg $0x0  }
0xb1: {  	[dreg:$0x5] =	wrdreg $0x9  }
0xb2: {  	_ =	task.clear_ibuf [dreg:s7], $0x6FFFF;
	_ =	strace $0x90000046  }
0xb3: {  	s29 =	simm.s32 $0x9;
	_ =	strace $0x80000048  }
0xb4: {  	_ =	swait.ge [sflag:s29], $0x1  }
0xb5: {  	[sflag:s29] =	ssyncadd.s32 $0xFFFFFFFF  }
0xb6: {  	_ =	strace $0x90000048  }
0xb7: {  	_ =	sfence  }
0xb8: {  	s30 =	sld [smem:$0x0];
	_ =	sdelay $0x2  }
0xb9: {  	s31 =	sshll.u32 s1, $0xD;
	s1 =	sshrl.u32 s1, $0x2  }
0xba: {  	s3 =	sand.u32 $0x4000, s31;
	s1 =	sadd.s32 s1, s30  }
0xbb: {  	s0 =	sor.u32 s3, s0;
	s1 =	sshll.u32 s1, $0x11  }
0xbc: {  	s0 =	sor.u32 s1, s0  }
0xbd: {  	s0 =	sadd.s32 $0x8F2B, s0  }
0xbe: {  	[sflag:s0] =	ssyncadd.remote.s32 $0x1  }
0xbf: {  	_ =	sfence.sel $0xFFFF  }
0xc0: {  	[dreg:$0x0] =	wrdreg $0xFFFFFFFF;
	(pc) =	sbr.abs _section_cstart, $3  }
0xc1: {  	[dreg:$0x1] =	wrdreg $0xFFFFFFFF  }
0xc2: {  	_ =	task.clear_ibuf [dreg:s7], $0x2FFFF;
	_ =	strace $0x9FFFFFFF  }
0xc3: {  	(tm) =	ssettm $0x7FFFFFFF  }
tec
execute0_lowered:
.L_overlay_start_1:
0x0: {  	(tag) =	ssettag $0x1  }
0x1: {  	s6 =	rddreg [dreg:$0x0]  }
0x2: {  	s8 =	rddreg [dreg:$0x1]  }
0x3: {  	s1 =	rddreg [dreg:$0x2]  }
0x4: {  	s0 =	rddreg [dreg:$0x3];
	s3 =	simm.s32 $0x0;
	s4 =	srdreg.scid  }
0x5: {  	s2 =	stileid.u32;
	s15 =	simm.s32 $0x1;
	s16 =	simm.s32 $0x2  }
0x6: {  	s17 =	simm.s32 $0x0;
	[smem:$0x7FF] =	sst s3;
	s7 =	sadd.s32 $0xEA00, s6  }
0x7: {  	s9 =	sand.u32 $0x1, s4;
	s10 =	smul.u32 $0x50000, s2;
	s4 =	sadd.s32 $0x11200, s6  }
0x8: {  	s5 =	sadd.s32 $0x11A00, s6;
	s12 =	sadd.s32 $0x14200, s6;
	s30 =	smul.u32 $0x280, s2  }
0x9: {  	s14 =	sadd.s32 $0x3C200, s6;
	s29 =	sshll.u32 s2, $0x6;
	s31 =	smul.u32 $0x2800, s2  }
0xa: {  	_ =	strace $0x80000047;
	s11 =	ssub.s32 $0x2, s9;
	p0 =	seq.s32 s9, $0x0  }
0xb: {  	s6 =	sor.u32 $0x1C03, s29;
	s13 =	sshrl.u32 s11, $0x1;
	s10 =	sshrl.u32 s10, $0x2  }
0xc: {  	s8 =	smov.u32 @p0 s7;
	s14 =	smov.u32 @p0 s12;
	s12 =	simm.s32 $0x15400  }
0xd: {  	s11 =	ssub.s32 s11, s13;
	s10 =	sadd.s32 s10, s1;
	s8 =	sadd.s32 s8, s30  }
0xe: {  	s9 =	sadd.s32 s14, s31;
	s13 =	simm.s32 $0x14000;
	s14 =	simm.s32 $0x80  }
0xf: {  	s7 =	smax.u32 s11, $0x1;
	s10 =	sshrl.u32 s10, $0x3;
	s11 =	simm.s32 $0x3  }
.LBB2_1:
0x10: {  	[spmem:s10], [sflag:s6] =	dma.local [hbm:s5], $0x2800  }
0x11: {  	_ =	swait.ge [sflag:s11], $0x2800  }
0x12: {  	[sflag:s11] =	ssyncset.done $0x0  }
0x13: {  	[sflag:s11] =	ssyncadd.s32 $0xFFFFD800  }
0x14: {  	[tilespmem:s12], [sflag:$0x3] =	stream.linear.gather [hbm4b:s4+s3], $0x4000, $0x38;
	[tilespmem:$0x19400] =	vst v63  }
0x15: {  	_ =	swait.ge [sflag:s11], $0x4000  }
0x16: {  	[sflag:s11] =	ssyncset.done $0x0  }
0x17: {  	[sflag:s11] =	ssyncadd.s32 $0xFFFFC000  }
0x18: {  	[tilespmem:s13], [sflag:$0x3] =	stream.linear.gather [hbm4b:s8+s3], $0x1400, $0x38;
	[tilespmem:$0x19400] =	vst v63  }
0x19: {  	_ =	swait.ge [sflag:s11], $0x1400  }
0x1a: {  	[sflag:s11] =	ssyncset.done $0x0  }
0x1b: {  	[sflag:s11] =	ssyncadd.s32 $0xFFFFEC00  }
0x1c: {  	s18 =	simm.s32 $0x14000;
	[bflag:$0x0] =	sbarrier.arrive $0xFFFF  }
0x1d: {  	[spmem:s1] =	stream.indirect.scatter.add.f32 [tilespmem:s12], [sflag:$0x1], $0x80, s18, s14, $0xb8;
	[tilespmem:$0x19400] =	vst v63  }
0x1e: {  	s31 =	simm.s32 $0x14080  }
0x1f: {  	[spmem:s1] =	stream.indirect.scatter.add.f32 [tilespmem:s12], [sflag:$0x2], $0x80, s31, s14, $0xb8;
	[tilespmem:$0x19400] =	vst v63  }
0x20: {  	_ =	swait.ge [sflag:s15], $0x4000  }
0x21: {  	[sflag:s15] =	ssyncset.done $0x0  }
0x22: {  	[sflag:s15] =	ssyncadd.s32 $0xFFFFC000  }
0x23: {  	_ =	swait.ge [sflag:s16], $0x4000  }
0x24: {  	s19 =	simm.s32 $0x800;
	s18 =	simm.s32 $0x100;
	[sflag:s16] =	ssyncset.done $0x0  }
.LBB2_2:
0x25: {  	s20 =	sadd.s32 $0x14000, s18  }
0x26: {  	[sflag:s16] =	ssyncadd.s32 $0xFFFFC000;
	s21 =	smov.u32 s19;
	s22 =	sadd.s32 $0x400, s19  }
0x27: {  	[spmem:s1] =	stream.indirect.scatter.add.f32 [tilespmem:s12], [sflag:$0x1], $0x80, s20, s14, $0xb8;
	[tilespmem:$0x19400] =	vst v63  }
0x28: {  	p0 =	sne.s32 s19, $0x4C00;
	s18 =	sadd.s32 $0x14080, s18  }
0x29: {  	[spmem:s1] =	stream.indirect.scatter.add.f32 [tilespmem:s12], [sflag:$0x2], $0x80, s18, s14, $0xb8;
	[tilespmem:$0x19400] =	vst v63  }
.Ltmp0:
0x2a: {  	_ =	swait.ge [sflag:s15], $0x4000;
	(pc) =	sbr.rel @p0 .LBB2_2-.Ltmp0, $4  }
0x2b: {  	[sflag:s15] =	ssyncset.done $0x0  }
0x2c: {  	[sflag:s15] =	ssyncadd.s32 $0xFFFFC000  }
0x2d: {  	_ =	swait.ge [sflag:s16], $0x4000  }
0x2e: {  	s19 =	smov.u32 s22;
	s18 =	sshra.s32 s21, $0x2;
	[sflag:s16] =	ssyncset.done $0x0  }
0x2f: {  	s19 =	sadd.s32 $0x14000, s18;
	[sflag:s16] =	ssyncadd.s32 $0xFFFFC000  }
0x30: {  	[spmem:s1] =	stream.indirect.scatter.add.f32 [tilespmem:s12], [sflag:$0x1], $0x80, s19, s14, $0xb8;
	[tilespmem:$0x19400] =	vst v63  }
0x31: {  	s31 =	sadd.s32 $0x14080, s18  }
0x32: {  	[spmem:s1] =	stream.indirect.scatter.add.f32 [tilespmem:s12], [sflag:$0x2], $0x80, s31, s14, $0xb8;
	[tilespmem:$0x19400] =	vst v63  }
0x33: {  	_ =	swait.ge [sflag:s15], $0x4000  }
0x34: {  	[sflag:s15] =	ssyncset.done $0x0  }
0x35: {  	[sflag:s15] =	ssyncadd.s32 $0xFFFFC000  }
0x36: {  	_ =	swait.ge [sflag:s16], $0x4000  }
0x37: {  	s17 =	sadd.s32 $0x1, s17;
	[sflag:s16] =	ssyncset.done $0x0  }
0x38: {  	p0 =	sne.s32 s17, s7;
	[sflag:s16] =	ssyncadd.s32 $0xFFFFC000  }
.Ltmp1:
0x39: {  	[bflag:$0x0] =	sbarrier.arrive $0xFFFF;
	(pc) =	sbr.rel @p0 .LBB2_1-.Ltmp1, $4  }
0x3a: {  	[hbm:s9], [sflag:s6] =	dma.local [spmem:s10], $0x2800  }
0x3b: {  	_ =	swait.ge [sflag:s11], $0x2800  }
0x3c: {  	[sflag:s11] =	ssyncset.done $0x0  }
0x3d: {  	[sflag:s11] =	ssyncadd.s32 $0xFFFFD800  }
0x3e: {  	_ =	sfence.sel $0x180000  }
0x3f: {  	[bflag:$0x0] =	sbarrier.arrive $0xFFFF  }
0x40: {  	p0 =	sne.s32 s2, $0x0;
	_ =	strace $0x90000047  }
0x41: {  	s0 =	sadd.s32 @!p0 $0x100000, s0;
	[bflag:$0x2] =	sbarrier.arrive $0xFFFF  }
0x42: {  	[sflag:s0] =	ssyncadd.tile.s32 @!p0 $0x1;
	_ =	shalt  }
.Lfunc_end2:
_tile_overlayer_lowered:
.L_overlay_start_2:
0x43: {  	(tag) =	ssettag $0x2  }
0x44: {  	s0 =	rddreg [dreg:$0x0];
	s2 =	stileid.u32  }
0x45: {  	s1 =	rddreg [dreg:$0x1];
	p0 =	sne.s32 s2, $0x0  }
0x46: {  	s3 =	rddreg [dreg:$0x2];
	[bflag:$0x3] =	sbarrier.arrive $0xFFFF;
	s2 =	simm.s32 @!p0 $0x1C03  }
0x47: {  	[timem:s3], [sflag:s2] =	dma.local @!p0 [hbm:s0], s1  }
0x48: {  	s0 =	simm.s32 @!p0 $0x3  }
0x49: {  	_ =	swait.ge @!p0 [sflag:s0], s1  }
0x4a: {  	s1 =	ssub.s32 @!p0 $0x0, s1;
	[sflag:s0] =	ssyncset.done @!p0 $0x0  }
0x4b: {  	[sflag:s0] =	ssyncadd.s32 @!p0 s1  }
0x4c: {  	[bflag:$0x3] =	sbarrier.arrive $0xFFFF  }
0x4d: {  	_ =	shalt  }

</sc_bundles>
